<compile_context>
chip_gen: v7x
topology: tpu7x:2x2x1
jax: 0.10.2.dev20260603
libtpu: 0.0.44.dev20260713+nightly
codegen_flags: <defaults>
</compile_context>

<pallas_src>
import functools

import jax
import jax.numpy as jnp
from jax import lax
from jax.experimental import pallas as pl
from jax.experimental.pallas import tpu as pltpu
from jax.experimental.pallas import tpu_sc as plsc

N_NODES = 10000
N_EDGES = 320000
D = 128

NC = 2
NS = 16
NW = NC * NS

N_PAD = 10240
STRIPE = N_PAD // NS

CHUNK = 120
K_PER_W = 84
N_CHUNKS = NW * K_PER_W
E_PAD = N_CHUNKS * CHUNK


def _mm_body(x_ref, w_ref, b_ref, o_ref):
    o_ref[...] = (
        lax.dot_general(
            x_ref[...], w_ref[...], (((1,), (1,)), ((), ())),
            preferred_element_type=jnp.float32,
        )
        + b_ref[...]
    )


def _linear(x, W, b):
    m_blk = 1000
    return pl.pallas_call(
        _mm_body,
        grid=(N_NODES // m_blk,),
        in_specs=[
            pl.BlockSpec((m_blk, D), lambda i: (i, 0)),
            pl.BlockSpec((D, D), lambda i: (0, 0)),
            pl.BlockSpec((1, D), lambda i: (0, 0)),
        ],
        out_specs=pl.BlockSpec((m_blk, D), lambda i: (i, 0)),
        out_shape=jax.ShapeDtypeStruct((N_NODES, D), jnp.float32),
    )(x, W, b.reshape(1, D))


def _add_body(p0_ref, p1_ref, o_ref):
    o_ref[...] = p0_ref[...] + p1_ref[...]


def _combine(partials):
    m_blk = 1024
    out = pl.pallas_call(
        _add_body,
        grid=(N_PAD // m_blk,),
        in_specs=[
            pl.BlockSpec((m_blk, D), lambda i: (i, 0)),
            pl.BlockSpec((m_blk, D), lambda i: (i + N_PAD // m_blk, 0)),
        ],
        out_specs=pl.BlockSpec((m_blk, D), lambda i: (i, 0)),
        out_shape=jax.ShapeDtypeStruct((N_PAD, D), jnp.float32),
    )(partials, partials)
    return out[:N_NODES]


def _sc_aggregate(out, eidx, zeros):
    mesh = plsc.VectorSubcoreMesh(core_axis_name="c", subcore_axis_name="s")

    @functools.partial(
        pl.kernel,
        mesh=mesh,
        out_type=jax.ShapeDtypeStruct((NC * N_PAD, D), jnp.float32),
        scratch_types=[
            pltpu.VMEM((2, CHUNK), jnp.int32),
            pltpu.VMEM((2, CHUNK), jnp.int32),
            pltpu.VMEM((2, CHUNK), jnp.int32),
            pltpu.VMEM((CHUNK, D), jnp.float32),
            pltpu.VMEM((CHUNK, D), jnp.float32),
            pltpu.VMEM((CHUNK, D), jnp.float32),
            pltpu.VMEM_SHARED((N_PAD, D), jnp.float32),
            pltpu.SemaphoreType.DMA,
            pltpu.SemaphoreType.DMA,
            pltpu.SemaphoreType.DMA,
        ],
    )
    def k(out_hbm, eidx_hbm, zero_hbm, o_hbm,
          idx_a, idx_b, idx_c, rows_a, rows_b, rows_c, acc,
          sem_a, sem_b, sem_c):
        cid = lax.axis_index("c")
        sid = lax.axis_index("s")
        wid = sid * NC + cid

        pltpu.sync_copy(zero_hbm, acc.at[pl.ds(sid * STRIPE, STRIPE)])
        plsc.subcore_barrier()

        def load_gather(c, idxv, rows, sem):
            pltpu.sync_copy(eidx_hbm.at[c], idxv)
            pltpu.async_copy(out_hbm.at[idxv.at[0]], rows, sem)

        def drain_scatter(idxv, rows, sem):
            pltpu.make_async_copy(zero_hbm.at[pl.ds(0, CHUNK)], rows, sem).wait()
            pltpu.sync_copy(rows, acc.at[idxv.at[1]], add=True)

        load_gather(wid, idx_a, rows_a, sem_a)
        load_gather(wid + NW, idx_b, rows_b, sem_b)
        load_gather(wid + 2 * NW, idx_c, rows_c, sem_c)

        @pl.loop(wid, N_CHUNKS - 3 * NW, step=3 * NW)
        def _(c):
            drain_scatter(idx_a, rows_a, sem_a)
            load_gather(c + 3 * NW, idx_a, rows_a, sem_a)
            drain_scatter(idx_b, rows_b, sem_b)
            load_gather(c + 4 * NW, idx_b, rows_b, sem_b)
            drain_scatter(idx_c, rows_c, sem_c)
            load_gather(c + 5 * NW, idx_c, rows_c, sem_c)

        drain_scatter(idx_a, rows_a, sem_a)
        drain_scatter(idx_b, rows_b, sem_b)
        drain_scatter(idx_c, rows_c, sem_c)

        plsc.subcore_barrier()
        pltpu.sync_copy(
            acc.at[pl.ds(sid * STRIPE, STRIPE)],
            o_hbm.at[pl.ds(cid * N_PAD + sid * STRIPE, STRIPE)],
        )

    return k(out, eidx, zeros)


def kernel(x, edge_index, W, b):
    ei = edge_index.astype(jnp.int32)
    pad = E_PAD - N_EDGES
    pad_src = jnp.arange(pad, dtype=jnp.int32) % N_NODES
    src = jnp.concatenate([ei[0], pad_src]).reshape(N_CHUNKS, 1, CHUNK)
    pad_dst = N_NODES + jnp.arange(pad, dtype=jnp.int32) % (N_PAD - N_NODES)
    dst = jnp.concatenate([ei[1], pad_dst]).reshape(N_CHUNKS, 1, CHUNK)
    eidx = jnp.concatenate([src, dst], axis=1)
    out = _linear(x, W, b)
    zeros = jnp.zeros((STRIPE, D), jnp.float32)
    partials = _sc_aggregate(out, eidx, zeros)
    return _combine(partials)

# --- scband reference (transcript-rebuilt; emitter-appended) ---
"""Pipeline reference for scband-simple-gcnlayer-17025250361862 (READ-ONLY COPY).

The authoritative reference and input builder live on the scoring server;
editing this copy changes nothing except your own understanding.
"""

import jax, jax.numpy as jnp
import numpy as np

N_NODES = 10000
N_EDGES = 320000
D_IN = 128
D_OUT = 128


def setup_inputs(seed: int = 0) -> dict:
    key = jax.random.key(seed)
    k_x, k_e, k_w, k_b = jax.random.split(key, 4)
    x = jax.random.normal(k_x, (N_NODES, D_IN), dtype=jnp.float32)
    edge_index = jax.random.randint(k_e, (2, N_EDGES), 0, N_NODES, dtype=jnp.int64)
    # nn.Linear params: weight [out, in], bias [out]
    bound = 1.0 / np.sqrt(D_IN)
    W = jax.random.uniform(k_w, (D_OUT, D_IN), minval=-bound, maxval=bound, dtype=jnp.float32)
    b = jax.random.uniform(k_b, (D_OUT,), minval=-bound, maxval=bound, dtype=jnp.float32)
    return {"x": x, "edge_index": edge_index, "W": W, "b": b}


def reference(x, edge_index, W, b):
    num_nodes = x.shape[0]
    out = x @ W.T + b  # nn.Linear
    src = edge_index[0]
    dst = edge_index[1]
    gathered = jnp.take(out, src, axis=0)  # out[src]
    aggregated = jnp.zeros_like(out).at[dst].add(gathered)  # index_add_
    return aggregated

if __name__ == "__main__":
    import jax
    _d = setup_inputs()
    print(jax.jit(kernel)(*tuple(_d.values())))

</pallas_src>

<mosaic_0001>
#map = affine_map<(d0, d1) -> (0, 0)>
#map1 = affine_map<(d0, d1) -> (0, 0, 0)>
module attributes {stable_mosaic.version = 14 : i64} {
  func.func @k(%arg0: i32, %arg1: i32, %arg2: memref<10000x128xf32, #tpu.memory_space<hbm>>, %arg3: memref<2688x2x120xi32, #tpu.memory_space<hbm>>, %arg4: memref<640x128xf32, #tpu.memory_space<hbm>>, %arg5: memref<20480x128xf32, #tpu.memory_space<hbm>>, %arg6: memref<2x120xi32, #tpu.memory_space<vmem>>, %arg7: memref<2x120xi32, #tpu.memory_space<vmem>>, %arg8: memref<2x120xi32, #tpu.memory_space<vmem>>, %arg9: memref<120x128xf32, #tpu.memory_space<vmem>>, %arg10: memref<120x128xf32, #tpu.memory_space<vmem>>, %arg11: memref<120x128xf32, #tpu.memory_space<vmem>>, %arg12: memref<10240x128xf32, #tpu.memory_space<vmem_shared>>, %arg13: memref<!tpu.dma_semaphore, #tpu.memory_space<semaphore_mem>>, %arg14: memref<!tpu.dma_semaphore, #tpu.memory_space<semaphore_mem>>, %arg15: memref<!tpu.dma_semaphore, #tpu.memory_space<semaphore_mem>>) attributes {dimension_semantics = [#tpu.dimension_semantics<core_parallel>, #tpu.dimension_semantics<subcore_parallel>], iteration_bounds = array<i64: 2, 16>, scalar_prefetch = 0 : i64, scratch_operands = 10 : i64, tpu.core_type = #tpu.core_type<sc_vector_subcore>, window_params = [{transform_indices = #map}, {transform_indices = #map1}, {transform_indices = #map}, {transform_indices = #map}]} {
    %mul3A = arith.constant 2 : i32
    %mul3A_0 = arith.muli %arg1, %mul3A : i32
    %add3A = arith.addi %mul3A_0, %arg0 : i32
    %mul3A_1 = arith.constant 640 : i32
    %mul3A_2 = arith.muli %arg1, %mul3A_1 : i32
    "tpu.region"() ({
      %run_scoped3A_69 = tpu.sem_alloc : memref<!tpu.dma_semaphore, #tpu.memory_space<semaphore_mem>>
      %dma_start3A_70 = arith.constant 0 : i32
      %dma_start3A_71 = tpu.memref_slice %arg12[%mul3A_2, %dma_start3A_70] : memref<10240x128xf32, #tpu.memory_space<vmem_shared>> -> memref<640x128xf32, #tpu.memory_space<vmem_shared>>
      tpu.enqueue_dma source(%arg4 : memref<640x128xf32, #tpu.memory_space<hbm>>) target(%dma_start3A_71 : memref<640x128xf32, #tpu.memory_space<vmem_shared>>) target_semaphore(%run_scoped3A_69 : memref<!tpu.dma_semaphore, #tpu.memory_space<semaphore_mem>>)
      %dma_wait3A_72 = arith.constant 0 : i32
      %dma_wait3A_73 = tpu.memref_slice %arg12[%mul3A_2, %dma_wait3A_72] : memref<10240x128xf32, #tpu.memory_space<vmem_shared>> -> memref<640x128xf32, #tpu.memory_space<vmem_shared>>
      tpu.wait_dma2 semaphore(%run_scoped3A_69 : memref<!tpu.dma_semaphore, #tpu.memory_space<semaphore_mem>>) src(%arg4 : memref<640x128xf32, #tpu.memory_space<hbm>>) dst(%dma_wait3A_73 : memref<640x128xf32, #tpu.memory_space<vmem_shared>>)
      tpu.yield
    }) : () -> ()
    %barrier3A = arith.constant 0 : index
    tpu.barrier barrier_id(%barrier3A)
    "tpu.region"() ({
      %run_scoped3A_69 = tpu.sem_alloc : memref<!tpu.dma_semaphore, #tpu.memory_space<semaphore_mem>>
      %dma_start3A_70 = arith.constant 0 : i32
      %dma_start3A_71 = arith.constant 0 : i32
      %dma_start3A_72 = tpu.memref_slice %arg3[%add3A, %dma_start3A_70, %dma_start3A_71] : memref<2688x2x120xi32, #tpu.memory_space<hbm>> -> memref<1x2x120xi32, #tpu.memory_space<hbm>>
      %dma_start3A_73 = tpu.memref_squeeze %dma_start3A_72 : memref<1x2x120xi32, #tpu.memory_space<hbm>> -> memref<2x120xi32, #tpu.memory_space<hbm>>
      %dma_start3A_74 = arith.constant 0 : i32
      %dma_start3A_75 = arith.constant 0 : i32
      %dma_start3A_76 = tpu.memref_slice %arg3[%add3A, %dma_start3A_74, %dma_start3A_75] : memref<2688x2x120xi32, #tpu.memory_space<hbm>> -> memref<1x2x120xi32, #tpu.memory_space<hbm>>
      %dma_start3A_77 = tpu.memref_squeeze %dma_start3A_76 : memref<1x2x120xi32, #tpu.memory_space<hbm>> -> memref<2x120xi32, #tpu.memory_space<hbm>>
      tpu.enqueue_dma source(%dma_start3A_77 : memref<2x120xi32, #tpu.memory_space<hbm>>) target(%arg6 : memref<2x120xi32, #tpu.memory_space<vmem>>) target_semaphore(%run_scoped3A_69 : memref<!tpu.dma_semaphore, #tpu.memory_space<semaphore_mem>>)
      %dma_wait3A_78 = arith.constant 0 : i32
      %dma_wait3A_79 = arith.constant 0 : i32
      %dma_wait3A_80 = tpu.memref_slice %arg3[%add3A, %dma_wait3A_78, %dma_wait3A_79] : memref<2688x2x120xi32, #tpu.memory_space<hbm>> -> memref<1x2x120xi32, #tpu.memory_space<hbm>>
      %dma_wait3A_81 = tpu.memref_squeeze %dma_wait3A_80 : memref<1x2x120xi32, #tpu.memory_space<hbm>> -> memref<2x120xi32, #tpu.memory_space<hbm>>
      %dma_wait3A_82 = arith.constant 0 : i32
      %dma_wait3A_83 = arith.constant 0 : i32
      %dma_wait3A_84 = tpu.memref_slice %arg3[%add3A, %dma_wait3A_82, %dma_wait3A_83] : memref<2688x2x120xi32, #tpu.memory_space<hbm>> -> memref<1x2x120xi32, #tpu.memory_space<hbm>>
      %dma_wait3A_85 = tpu.memref_squeeze %dma_wait3A_84 : memref<1x2x120xi32, #tpu.memory_space<hbm>> -> memref<2x120xi32, #tpu.memory_space<hbm>>
      tpu.wait_dma2 semaphore(%run_scoped3A_69 : memref<!tpu.dma_semaphore, #tpu.memory_space<semaphore_mem>>) src(%dma_wait3A_85 : memref<2x120xi32, #tpu.memory_space<hbm>>) dst(%arg6 : memref<2x120xi32, #tpu.memory_space<vmem>>)
      tpu.yield
    }) : () -> ()
    %dma_start3A = arith.constant 0 : i32
    %dma_start3A_3 = arith.constant 0 : i32
    %dma_start3A_4 = tpu.memref_slice %arg6[%dma_start3A, %dma_start3A_3] : memref<2x120xi32, #tpu.memory_space<vmem>> -> memref<1x120xi32, #tpu.memory_space<vmem>>
    %dma_start3A_5 = tpu.memref_squeeze %dma_start3A_4 : memref<1x120xi32, #tpu.memory_space<vmem>> -> memref<120xi32, #tpu.memory_space<vmem>>
    %dma_start3A_6 = arith.constant 0 : i32
    %dma_start3A_7 = arith.constant 0 : i32
    %dma_start3A_8 = tpu.memref_slice %arg2[%dma_start3A_6, %dma_start3A_7] : memref<10000x128xf32, #tpu.memory_space<hbm>> -> memref<10000x128xf32, #tpu.memory_space<hbm>>
    tpu.enqueue_indirect_dma source(%dma_start3A_8 : memref<10000x128xf32, #tpu.memory_space<hbm>>) target(%arg9 : memref<120x128xf32, #tpu.memory_space<vmem>>) offsets(%dma_start3A_5 : memref<120xi32, #tpu.memory_space<vmem>>) semaphore(%arg13 : memref<!tpu.dma_semaphore, #tpu.memory_space<semaphore_mem>>)
    %add3A_9 = arith.constant 32 : i32
    %add3A_10 = arith.addi %add3A, %add3A_9 : i32
    "tpu.region"() ({
      %run_scoped3A_69 = tpu.sem_alloc : memref<!tpu.dma_semaphore, #tpu.memory_space<semaphore_mem>>
      %dma_start3A_70 = arith.constant 0 : i32
      %dma_start3A_71 = arith.constant 0 : i32
      %dma_start3A_72 = tpu.memref_slice %arg3[%add3A_10, %dma_start3A_70, %dma_start3A_71] : memref<2688x2x120xi32, #tpu.memory_space<hbm>> -> memref<1x2x120xi32, #tpu.memory_space<hbm>>
      %dma_start3A_73 = tpu.memref_squeeze %dma_start3A_72 : memref<1x2x120xi32, #tpu.memory_space<hbm>> -> memref<2x120xi32, #tpu.memory_space<hbm>>
      %dma_start3A_74 = arith.constant 0 : i32
      %dma_start3A_75 = arith.constant 0 : i32
      %dma_start3A_76 = tpu.memref_slice %arg3[%add3A_10, %dma_start3A_74, %dma_start3A_75] : memref<2688x2x120xi32, #tpu.memory_space<hbm>> -> memref<1x2x120xi32, #tpu.memory_space<hbm>>
      %dma_start3A_77 = tpu.memref_squeeze %dma_start3A_76 : memref<1x2x120xi32, #tpu.memory_space<hbm>> -> memref<2x120xi32, #tpu.memory_space<hbm>>
      tpu.enqueue_dma source(%dma_start3A_77 : memref<2x120xi32, #tpu.memory_space<hbm>>) target(%arg7 : memref<2x120xi32, #tpu.memory_space<vmem>>) target_semaphore(%run_scoped3A_69 : memref<!tpu.dma_semaphore, #tpu.memory_space<semaphore_mem>>)
      %dma_wait3A_78 = arith.constant 0 : i32
      %dma_wait3A_79 = arith.constant 0 : i32
      %dma_wait3A_80 = tpu.memref_slice %arg3[%add3A_10, %dma_wait3A_78, %dma_wait3A_79] : memref<2688x2x120xi32, #tpu.memory_space<hbm>> -> memref<1x2x120xi32, #tpu.memory_space<hbm>>
      %dma_wait3A_81 = tpu.memref_squeeze %dma_wait3A_80 : memref<1x2x120xi32, #tpu.memory_space<hbm>> -> memref<2x120xi32, #tpu.memory_space<hbm>>
      %dma_wait3A_82 = arith.constant 0 : i32
      %dma_wait3A_83 = arith.constant 0 : i32
      %dma_wait3A_84 = tpu.memref_slice %arg3[%add3A_10, %dma_wait3A_82, %dma_wait3A_83] : memref<2688x2x120xi32, #tpu.memory_space<hbm>> -> memref<1x2x120xi32, #tpu.memory_space<hbm>>
      %dma_wait3A_85 = tpu.memref_squeeze %dma_wait3A_84 : memref<1x2x120xi32, #tpu.memory_space<hbm>> -> memref<2x120xi32, #tpu.memory_space<hbm>>
      tpu.wait_dma2 semaphore(%run_scoped3A_69 : memref<!tpu.dma_semaphore, #tpu.memory_space<semaphore_mem>>) src(%dma_wait3A_85 : memref<2x120xi32, #tpu.memory_space<hbm>>) dst(%arg7 : memref<2x120xi32, #tpu.memory_space<vmem>>)
      tpu.yield
    }) : () -> ()
    %dma_start3A_11 = arith.constant 0 : i32
    %dma_start3A_12 = arith.constant 0 : i32
    %dma_start3A_13 = tpu.memref_slice %arg7[%dma_start3A_11, %dma_start3A_12] : memref<2x120xi32, #tpu.memory_space<vmem>> -> memref<1x120xi32, #tpu.memory_space<vmem>>
    %dma_start3A_14 = tpu.memref_squeeze %dma_start3A_13 : memref<1x120xi32, #tpu.memory_space<vmem>> -> memref<120xi32, #tpu.memory_space<vmem>>
    %dma_start3A_15 = arith.constant 0 : i32
    %dma_start3A_16 = arith.constant 0 : i32
    %dma_start3A_17 = tpu.memref_slice %arg2[%dma_start3A_15, %dma_start3A_16] : memref<10000x128xf32, #tpu.memory_space<hbm>> -> memref<10000x128xf32, #tpu.memory_space<hbm>>
    tpu.enqueue_indirect_dma source(%dma_start3A_17 : memref<10000x128xf32, #tpu.memory_space<hbm>>) target(%arg10 : memref<120x128xf32, #tpu.memory_space<vmem>>) offsets(%dma_start3A_14 : memref<120xi32, #tpu.memory_space<vmem>>) semaphore(%arg14 : memref<!tpu.dma_semaphore, #tpu.memory_space<semaphore_mem>>)
    %add3A_18 = arith.constant 64 : i32
    %add3A_19 = arith.addi %add3A, %add3A_18 : i32
    "tpu.region"() ({
      %run_scoped3A_69 = tpu.sem_alloc : memref<!tpu.dma_semaphore, #tpu.memory_space<semaphore_mem>>
      %dma_start3A_70 = arith.constant 0 : i32
      %dma_start3A_71 = arith.constant 0 : i32
      %dma_start3A_72 = tpu.memref_slice %arg3[%add3A_19, %dma_start3A_70, %dma_start3A_71] : memref<2688x2x120xi32, #tpu.memory_space<hbm>> -> memref<1x2x120xi32, #tpu.memory_space<hbm>>
      %dma_start3A_73 = tpu.memref_squeeze %dma_start3A_72 : memref<1x2x120xi32, #tpu.memory_space<hbm>> -> memref<2x120xi32, #tpu.memory_space<hbm>>
      %dma_start3A_74 = arith.constant 0 : i32
      %dma_start3A_75 = arith.constant 0 : i32
      %dma_start3A_76 = tpu.memref_slice %arg3[%add3A_19, %dma_start3A_74, %dma_start3A_75] : memref<2688x2x120xi32, #tpu.memory_space<hbm>> -> memref<1x2x120xi32, #tpu.memory_space<hbm>>
      %dma_start3A_77 = tpu.memref_squeeze %dma_start3A_76 : memref<1x2x120xi32, #tpu.memory_space<hbm>> -> memref<2x120xi32, #tpu.memory_space<hbm>>
      tpu.enqueue_dma source(%dma_start3A_77 : memref<2x120xi32, #tpu.memory_space<hbm>>) target(%arg8 : memref<2x120xi32, #tpu.memory_space<vmem>>) target_semaphore(%run_scoped3A_69 : memref<!tpu.dma_semaphore, #tpu.memory_space<semaphore_mem>>)
      %dma_wait3A_78 = arith.constant 0 : i32
      %dma_wait3A_79 = arith.constant 0 : i32
      %dma_wait3A_80 = tpu.memref_slice %arg3[%add3A_19, %dma_wait3A_78, %dma_wait3A_79] : memref<2688x2x120xi32, #tpu.memory_space<hbm>> -> memref<1x2x120xi32, #tpu.memory_space<hbm>>
      %dma_wait3A_81 = tpu.memref_squeeze %dma_wait3A_80 : memref<1x2x120xi32, #tpu.memory_space<hbm>> -> memref<2x120xi32, #tpu.memory_space<hbm>>
      %dma_wait3A_82 = arith.constant 0 : i32
      %dma_wait3A_83 = arith.constant 0 : i32
      %dma_wait3A_84 = tpu.memref_slice %arg3[%add3A_19, %dma_wait3A_82, %dma_wait3A_83] : memref<2688x2x120xi32, #tpu.memory_space<hbm>> -> memref<1x2x120xi32, #tpu.memory_space<hbm>>
      %dma_wait3A_85 = tpu.memref_squeeze %dma_wait3A_84 : memref<1x2x120xi32, #tpu.memory_space<hbm>> -> memref<2x120xi32, #tpu.memory_space<hbm>>
      tpu.wait_dma2 semaphore(%run_scoped3A_69 : memref<!tpu.dma_semaphore, #tpu.memory_space<semaphore_mem>>) src(%dma_wait3A_85 : memref<2x120xi32, #tpu.memory_space<hbm>>) dst(%arg8 : memref<2x120xi32, #tpu.memory_space<vmem>>)
      tpu.yield
    }) : () -> ()
    %dma_start3A_20 = arith.constant 0 : i32
    %dma_start3A_21 = arith.constant 0 : i32
    %dma_start3A_22 = tpu.memref_slice %arg8[%dma_start3A_20, %dma_start3A_21] : memref<2x120xi32, #tpu.memory_space<vmem>> -> memref<1x120xi32, #tpu.memory_space<vmem>>
    %dma_start3A_23 = tpu.memref_squeeze %dma_start3A_22 : memref<1x120xi32, #tpu.memory_space<vmem>> -> memref<120xi32, #tpu.memory_space<vmem>>
    %dma_start3A_24 = arith.constant 0 : i32
    %dma_start3A_25 = arith.constant 0 : i32
    %dma_start3A_26 = tpu.memref_slice %arg2[%dma_start3A_24, %dma_start3A_25] : memref<10000x128xf32, #tpu.memory_space<hbm>> -> memref<10000x128xf32, #tpu.memory_space<hbm>>
    tpu.enqueue_indirect_dma source(%dma_start3A_26 : memref<10000x128xf32, #tpu.memory_space<hbm>>) target(%arg11 : memref<120x128xf32, #tpu.memory_space<vmem>>) offsets(%dma_start3A_23 : memref<120xi32, #tpu.memory_space<vmem>>) semaphore(%arg15 : memref<!tpu.dma_semaphore, #tpu.memory_space<semaphore_mem>>)
    %sub3A = arith.constant 2592 : i32
    %sub3A_27 = arith.subi %sub3A, %add3A : i32
    %sub3A_28 = arith.constant 96 : i32
    %sub3A_29 = arith.constant 1 : i32
    %sub3A_30 = arith.subi %sub3A_28, %sub3A_29 : i32
    %add3A_31 = arith.addi %sub3A_27, %sub3A_30 : i32
    %div3A = arith.constant 96 : i32
    %div3A_32 = arith.divsi %add3A_31, %div3A : i32
    %while3A = arith.constant 96 : i32
    %while3A_33 = arith.constant 0 : i32
    %while3A_34 = arith.subi %div3A_32, %while3A_33 : i32
    %while3A_35 = arith.addi %while3A_33, %while3A_34 : i32
    %while3A_36 = arith.constant 1 : i32
    %while3A_37 = arith.divsi %while3A_34, %while3A_36 : i32
    %while3A_38 = arith.muli %while3A_37, %while3A_36 : i32
    %while3A_39 = arith.addi %while3A_33, %while3A_38 : i32
    %while3A_40 = arith.constant 1 : i32
    scf.for %while3A_69 = %while3A_33 to %while3A_39 step %while3A_40  : i32 {
      %mul3A_70 = arith.muli %while3A_69, %while3A : i32
      %add3A_71 = arith.addi %add3A, %mul3A_70 : i32
      %dma_wait3A_72 = arith.constant 0 : i32
      %dma_wait3A_73 = arith.constant 0 : i32
      %dma_wait3A_74 = tpu.memref_slice %arg4[%dma_wait3A_72, %dma_wait3A_73] : memref<640x128xf32, #tpu.memory_space<hbm>> -> memref<120x128xf32, #tpu.memory_space<hbm>>
      %dma_wait3A_75 = arith.constant 0 : i32
      %dma_wait3A_76 = arith.constant 0 : i32
      %dma_wait3A_77 = tpu.memref_slice %arg4[%dma_wait3A_75, %dma_wait3A_76] : memref<640x128xf32, #tpu.memory_space<hbm>> -> memref<120x128xf32, #tpu.memory_space<hbm>>
      tpu.wait_dma2 semaphore(%arg13 : memref<!tpu.dma_semaphore, #tpu.memory_space<semaphore_mem>>) src(%dma_wait3A_77 : memref<120x128xf32, #tpu.memory_space<hbm>>) dst(%arg9 : memref<120x128xf32, #tpu.memory_space<vmem>>)
      %run_scoped3A_78 = arith.constant 1 : i32
      "tpu.region"() ({
        %run_scoped3A_120 = tpu.sem_alloc : memref<!tpu.dma_semaphore, #tpu.memory_space<semaphore_mem>>
        %dma_start3A_121 = arith.constant 0 : i32
        %dma_start3A_122 = tpu.memref_slice %arg6[%run_scoped3A_78, %dma_start3A_121] : memref<2x120xi32, #tpu.memory_space<vmem>> -> memref<1x120xi32, #tpu.memory_space<vmem>>
        %dma_start3A_123 = tpu.memref_squeeze %dma_start3A_122 : memref<1x120xi32, #tpu.memory_space<vmem>> -> memref<120xi32, #tpu.memory_space<vmem>>
        %dma_start3A_124 = arith.constant 0 : i32
        %dma_start3A_125 = arith.constant 0 : i32
        %dma_start3A_126 = tpu.memref_slice %arg12[%dma_start3A_124, %dma_start3A_125] : memref<10240x128xf32, #tpu.memory_space<vmem_shared>> -> memref<10240x128xf32, #tpu.memory_space<vmem_shared>>
        tpu.enqueue_indirect_dma source(%arg9 : memref<120x128xf32, #tpu.memory_space<vmem>>) target(%dma_start3A_126 : memref<10240x128xf32, #tpu.memory_space<vmem_shared>>) offsets(%dma_start3A_123 : memref<120xi32, #tpu.memory_space<vmem>>) semaphore(%run_scoped3A_120 : memref<!tpu.dma_semaphore, #tpu.memory_space<semaphore_mem>>) {add = true}
        %dma_wait3A_127 = arith.constant 0 : i32
        %dma_wait3A_128 = tpu.memref_slice %arg6[%run_scoped3A_78, %dma_wait3A_127] : memref<2x120xi32, #tpu.memory_space<vmem>> -> memref<1x120xi32, #tpu.memory_space<vmem>>
        %dma_wait3A_129 = tpu.memref_squeeze %dma_wait3A_128 : memref<1x120xi32, #tpu.memory_space<vmem>> -> memref<120xi32, #tpu.memory_space<vmem>>
        %dma_wait3A_130 = arith.constant 0 : i32
        %dma_wait3A_131 = arith.constant 0 : i32
        %dma_wait3A_132 = tpu.memref_slice %arg12[%dma_wait3A_130, %dma_wait3A_131] : memref<10240x128xf32, #tpu.memory_space<vmem_shared>> -> memref<10240x128xf32, #tpu.memory_space<vmem_shared>>
        tpu.wait_indirect_dma semaphore(%run_scoped3A_120 : memref<!tpu.dma_semaphore, #tpu.memory_space<semaphore_mem>>) src(%arg9 : memref<120x128xf32, #tpu.memory_space<vmem>>) dst(%dma_wait3A_132 : memref<10240x128xf32, #tpu.memory_space<vmem_shared>>)
        tpu.yield
      }) : () -> ()
      %add3A_79 = arith.constant 96 : i32
      %add3A_80 = arith.addi %add3A_71, %add3A_79 : i32
      "tpu.region"() ({
        %run_scoped3A_120 = tpu.sem_alloc : memref<!tpu.dma_semaphore, #tpu.memory_space<semaphore_mem>>
        %dma_start3A_121 = arith.constant 0 : i32
        %dma_start3A_122 = arith.constant 0 : i32
        %dma_start3A_123 = tpu.memref_slice %arg3[%add3A_80, %dma_start3A_121, %dma_start3A_122] : memref<2688x2x120xi32, #tpu.memory_space<hbm>> -> memref<1x2x120xi32, #tpu.memory_space<hbm>>
        %dma_start3A_124 = tpu.memref_squeeze %dma_start3A_123 : memref<1x2x120xi32, #tpu.memory_space<hbm>> -> memref<2x120xi32, #tpu.memory_space<hbm>>
        %dma_start3A_125 = arith.constant 0 : i32
        %dma_start3A_126 = arith.constant 0 : i32
        %dma_start3A_127 = tpu.memref_slice %arg3[%add3A_80, %dma_start3A_125, %dma_start3A_126] : memref<2688x2x120xi32, #tpu.memory_space<hbm>> -> memref<1x2x120xi32, #tpu.memory_space<hbm>>
        %dma_start3A_128 = tpu.memref_squeeze %dma_start3A_127 : memref<1x2x120xi32, #tpu.memory_space<hbm>> -> memref<2x120xi32, #tpu.memory_space<hbm>>
        tpu.enqueue_dma source(%dma_start3A_128 : memref<2x120xi32, #tpu.memory_space<hbm>>) target(%arg6 : memref<2x120xi32, #tpu.memory_space<vmem>>) target_semaphore(%run_scoped3A_120 : memref<!tpu.dma_semaphore, #tpu.memory_space<semaphore_mem>>)
        %dma_wait3A_129 = arith.constant 0 : i32
        %dma_wait3A_130 = arith.constant 0 : i32
        %dma_wait3A_131 = tpu.memref_slice %arg3[%add3A_80, %dma_wait3A_129, %dma_wait3A_130] : memref<2688x2x120xi32, #tpu.memory_space<hbm>> -> memref<1x2x120xi32, #tpu.memory_space<hbm>>
        %dma_wait3A_132 = tpu.memref_squeeze %dma_wait3A_131 : memref<1x2x120xi32, #tpu.memory_space<hbm>> -> memref<2x120xi32, #tpu.memory_space<hbm>>
        %dma_wait3A_133 = arith.constant 0 : i32
        %dma_wait3A_134 = arith.constant 0 : i32
        %dma_wait3A_135 = tpu.memref_slice %arg3[%add3A_80, %dma_wait3A_133, %dma_wait3A_134] : memref<2688x2x120xi32, #tpu.memory_space<hbm>> -> memref<1x2x120xi32, #tpu.memory_space<hbm>>
        %dma_wait3A_136 = tpu.memref_squeeze %dma_wait3A_135 : memref<1x2x120xi32, #tpu.memory_space<hbm>> -> memref<2x120xi32, #tpu.memory_space<hbm>>
        tpu.wait_dma2 semaphore(%run_scoped3A_120 : memref<!tpu.dma_semaphore, #tpu.memory_space<semaphore_mem>>) src(%dma_wait3A_136 : memref<2x120xi32, #tpu.memory_space<hbm>>) dst(%arg6 : memref<2x120xi32, #tpu.memory_space<vmem>>)
        tpu.yield
      }) : () -> ()
      %dma_start3A_81 = arith.constant 0 : i32
      %dma_start3A_82 = arith.constant 0 : i32
      %dma_start3A_83 = tpu.memref_slice %arg6[%dma_start3A_81, %dma_start3A_82] : memref<2x120xi32, #tpu.memory_space<vmem>> -> memref<1x120xi32, #tpu.memory_space<vmem>>
      %dma_start3A_84 = tpu.memref_squeeze %dma_start3A_83 : memref<1x120xi32, #tpu.memory_space<vmem>> -> memref<120xi32, #tpu.memory_space<vmem>>
      %dma_start3A_85 = arith.constant 0 : i32
      %dma_start3A_86 = arith.constant 0 : i32
      %dma_start3A_87 = tpu.memref_slice %arg2[%dma_start3A_85, %dma_start3A_86] : memref<10000x128xf32, #tpu.memory_space<hbm>> -> memref<10000x128xf32, #tpu.memory_space<hbm>>
      tpu.enqueue_indirect_dma source(%dma_start3A_87 : memref<10000x128xf32, #tpu.memory_space<hbm>>) target(%arg9 : memref<120x128xf32, #tpu.memory_space<vmem>>) offsets(%dma_start3A_84 : memref<120xi32, #tpu.memory_space<vmem>>) semaphore(%arg13 : memref<!tpu.dma_semaphore, #tpu.memory_space<semaphore_mem>>)
      %dma_wait3A_88 = arith.constant 0 : i32
      %dma_wait3A_89 = arith.constant 0 : i32
      %dma_wait3A_90 = tpu.memref_slice %arg4[%dma_wait3A_88, %dma_wait3A_89] : memref<640x128xf32, #tpu.memory_space<hbm>> -> memref<120x128xf32, #tpu.memory_space<hbm>>
      %dma_wait3A_91 = arith.constant 0 : i32
      %dma_wait3A_92 = arith.constant 0 : i32
      %dma_wait3A_93 = tpu.memref_slice %arg4[%dma_wait3A_91, %dma_wait3A_92] : memref<640x128xf32, #tpu.memory_space<hbm>> -> memref<120x128xf32, #tpu.memory_space<hbm>>
      tpu.wait_dma2 semaphore(%arg14 : memref<!tpu.dma_semaphore, #tpu.memory_space<semaphore_mem>>) src(%dma_wait3A_93 : memref<120x128xf32, #tpu.memory_space<hbm>>) dst(%arg10 : memref<120x128xf32, #tpu.memory_space<vmem>>)
      %run_scoped3A_94 = arith.constant 1 : i32
      "tpu.region"() ({
        %run_scoped3A_120 = tpu.sem_alloc : memref<!tpu.dma_semaphore, #tpu.memory_space<semaphore_mem>>
        %dma_start3A_121 = arith.constant 0 : i32
        %dma_start3A_122 = tpu.memref_slice %arg7[%run_scoped3A_94, %dma_start3A_121] : memref<2x120xi32, #tpu.memory_space<vmem>> -> memref<1x120xi32, #tpu.memory_space<vmem>>
        %dma_start3A_123 = tpu.memref_squeeze %dma_start3A_122 : memref<1x120xi32, #tpu.memory_space<vmem>> -> memref<120xi32, #tpu.memory_space<vmem>>
        %dma_start3A_124 = arith.constant 0 : i32
        %dma_start3A_125 = arith.constant 0 : i32
        %dma_start3A_126 = tpu.memref_slice %arg12[%dma_start3A_124, %dma_start3A_125] : memref<10240x128xf32, #tpu.memory_space<vmem_shared>> -> memref<10240x128xf32, #tpu.memory_space<vmem_shared>>
        tpu.enqueue_indirect_dma source(%arg10 : memref<120x128xf32, #tpu.memory_space<vmem>>) target(%dma_start3A_126 : memref<10240x128xf32, #tpu.memory_space<vmem_shared>>) offsets(%dma_start3A_123 : memref<120xi32, #tpu.memory_space<vmem>>) semaphore(%run_scoped3A_120 : memref<!tpu.dma_semaphore, #tpu.memory_space<semaphore_mem>>) {add = true}
        %dma_wait3A_127 = arith.constant 0 : i32
        %dma_wait3A_128 = tpu.memref_slice %arg7[%run_scoped3A_94, %dma_wait3A_127] : memref<2x120xi32, #tpu.memory_space<vmem>> -> memref<1x120xi32, #tpu.memory_space<vmem>>
        %dma_wait3A_129 = tpu.memref_squeeze %dma_wait3A_128 : memref<1x120xi32, #tpu.memory_space<vmem>> -> memref<120xi32, #tpu.memory_space<vmem>>
        %dma_wait3A_130 = arith.constant 0 : i32
        %dma_wait3A_131 = arith.constant 0 : i32
        %dma_wait3A_132 = tpu.memref_slice %arg12[%dma_wait3A_130, %dma_wait3A_131] : memref<10240x128xf32, #tpu.memory_space<vmem_shared>> -> memref<10240x128xf32, #tpu.memory_space<vmem_shared>>
        tpu.wait_indirect_dma semaphore(%run_scoped3A_120 : memref<!tpu.dma_semaphore, #tpu.memory_space<semaphore_mem>>) src(%arg10 : memref<120x128xf32, #tpu.memory_space<vmem>>) dst(%dma_wait3A_132 : memref<10240x128xf32, #tpu.memory_space<vmem_shared>>)
        tpu.yield
      }) : () -> ()
      %add3A_95 = arith.constant 128 : i32
      %add3A_96 = arith.addi %add3A_71, %add3A_95 : i32
      "tpu.region"() ({
        %run_scoped3A_120 = tpu.sem_alloc : memref<!tpu.dma_semaphore, #tpu.memory_space<semaphore_mem>>
        %dma_start3A_121 = arith.constant 0 : i32
        %dma_start3A_122 = arith.constant 0 : i32
        %dma_start3A_123 = tpu.memref_slice %arg3[%add3A_96, %dma_start3A_121, %dma_start3A_122] : memref<2688x2x120xi32, #tpu.memory_space<hbm>> -> memref<1x2x120xi32, #tpu.memory_space<hbm>>
        %dma_start3A_124 = tpu.memref_squeeze %dma_start3A_123 : memref<1x2x120xi32, #tpu.memory_space<hbm>> -> memref<2x120xi32, #tpu.memory_space<hbm>>
        %dma_start3A_125 = arith.constant 0 : i32
        %dma_start3A_126 = arith.constant 0 : i32
        %dma_start3A_127 = tpu.memref_slice %arg3[%add3A_96, %dma_start3A_125, %dma_start3A_126] : memref<2688x2x120xi32, #tpu.memory_space<hbm>> -> memref<1x2x120xi32, #tpu.memory_space<hbm>>
        %dma_start3A_128 = tpu.memref_squeeze %dma_start3A_127 : memref<1x2x120xi32, #tpu.memory_space<hbm>> -> memref<2x120xi32, #tpu.memory_space<hbm>>
        tpu.enqueue_dma source(%dma_start3A_128 : memref<2x120xi32, #tpu.memory_space<hbm>>) target(%arg7 : memref<2x120xi32, #tpu.memory_space<vmem>>) target_semaphore(%run_scoped3A_120 : memref<!tpu.dma_semaphore, #tpu.memory_space<semaphore_mem>>)
        %dma_wait3A_129 = arith.constant 0 : i32
        %dma_wait3A_130 = arith.constant 0 : i32
        %dma_wait3A_131 = tpu.memref_slice %arg3[%add3A_96, %dma_wait3A_129, %dma_wait3A_130] : memref<2688x2x120xi32, #tpu.memory_space<hbm>> -> memref<1x2x120xi32, #tpu.memory_space<hbm>>
        %dma_wait3A_132 = tpu.memref_squeeze %dma_wait3A_131 : memref<1x2x120xi32, #tpu.memory_space<hbm>> -> memref<2x120xi32, #tpu.memory_space<hbm>>
        %dma_wait3A_133 = arith.constant 0 : i32
        %dma_wait3A_134 = arith.constant 0 : i32
        %dma_wait3A_135 = tpu.memref_slice %arg3[%add3A_96, %dma_wait3A_133, %dma_wait3A_134] : memref<2688x2x120xi32, #tpu.memory_space<hbm>> -> memref<1x2x120xi32, #tpu.memory_space<hbm>>
        %dma_wait3A_136 = tpu.memref_squeeze %dma_wait3A_135 : memref<1x2x120xi32, #tpu.memory_space<hbm>> -> memref<2x120xi32, #tpu.memory_space<hbm>>
        tpu.wait_dma2 semaphore(%run_scoped3A_120 : memref<!tpu.dma_semaphore, #tpu.memory_space<semaphore_mem>>) src(%dma_wait3A_136 : memref<2x120xi32, #tpu.memory_space<hbm>>) dst(%arg7 : memref<2x120xi32, #tpu.memory_space<vmem>>)
        tpu.yield
      }) : () -> ()
      %dma_start3A_97 = arith.constant 0 : i32
      %dma_start3A_98 = arith.constant 0 : i32
      %dma_start3A_99 = tpu.memref_slice %arg7[%dma_start3A_97, %dma_start3A_98] : memref<2x120xi32, #tpu.memory_space<vmem>> -> memref<1x120xi32, #tpu.memory_space<vmem>>
      %dma_start3A_100 = tpu.memref_squeeze %dma_start3A_99 : memref<1x120xi32, #tpu.memory_space<vmem>> -> memref<120xi32, #tpu.memory_space<vmem>>
      %dma_start3A_101 = arith.constant 0 : i32
      %dma_start3A_102 = arith.constant 0 : i32
      %dma_start3A_103 = tpu.memref_slice %arg2[%dma_start3A_101, %dma_start3A_102] : memref<10000x128xf32, #tpu.memory_space<hbm>> -> memref<10000x128xf32, #tpu.memory_space<hbm>>
      tpu.enqueue_indirect_dma source(%dma_start3A_103 : memref<10000x128xf32, #tpu.memory_space<hbm>>) target(%arg10 : memref<120x128xf32, #tpu.memory_space<vmem>>) offsets(%dma_start3A_100 : memref<120xi32, #tpu.memory_space<vmem>>) semaphore(%arg14 : memref<!tpu.dma_semaphore, #tpu.memory_space<semaphore_mem>>)
      %dma_wait3A_104 = arith.constant 0 : i32
      %dma_wait3A_105 = arith.constant 0 : i32
      %dma_wait3A_106 = tpu.memref_slice %arg4[%dma_wait3A_104, %dma_wait3A_105] : memref<640x128xf32, #tpu.memory_space<hbm>> -> memref<120x128xf32, #tpu.memory_space<hbm>>
      %dma_wait3A_107 = arith.constant 0 : i32
      %dma_wait3A_108 = arith.constant 0 : i32
      %dma_wait3A_109 = tpu.memref_slice %arg4[%dma_wait3A_107, %dma_wait3A_108] : memref<640x128xf32, #tpu.memory_space<hbm>> -> memref<120x128xf32, #tpu.memory_space<hbm>>
      tpu.wait_dma2 semaphore(%arg15 : memref<!tpu.dma_semaphore, #tpu.memory_space<semaphore_mem>>) src(%dma_wait3A_109 : memref<120x128xf32, #tpu.memory_space<hbm>>) dst(%arg11 : memref<120x128xf32, #tpu.memory_space<vmem>>)
      %run_scoped3A_110 = arith.constant 1 : i32
      "tpu.region"() ({
        %run_scoped3A_120 = tpu.sem_alloc : memref<!tpu.dma_semaphore, #tpu.memory_space<semaphore_mem>>
        %dma_start3A_121 = arith.constant 0 : i32
        %dma_start3A_122 = tpu.memref_slice %arg8[%run_scoped3A_110, %dma_start3A_121] : memref<2x120xi32, #tpu.memory_space<vmem>> -> memref<1x120xi32, #tpu.memory_space<vmem>>
        %dma_start3A_123 = tpu.memref_squeeze %dma_start3A_122 : memref<1x120xi32, #tpu.memory_space<vmem>> -> memref<120xi32, #tpu.memory_space<vmem>>
        %dma_start3A_124 = arith.constant 0 : i32
        %dma_start3A_125 = arith.constant 0 : i32
        %dma_start3A_126 = tpu.memref_slice %arg12[%dma_start3A_124, %dma_start3A_125] : memref<10240x128xf32, #tpu.memory_space<vmem_shared>> -> memref<10240x128xf32, #tpu.memory_space<vmem_shared>>
        tpu.enqueue_indirect_dma source(%arg11 : memref<120x128xf32, #tpu.memory_space<vmem>>) target(%dma_start3A_126 : memref<10240x128xf32, #tpu.memory_space<vmem_shared>>) offsets(%dma_start3A_123 : memref<120xi32, #tpu.memory_space<vmem>>) semaphore(%run_scoped3A_120 : memref<!tpu.dma_semaphore, #tpu.memory_space<semaphore_mem>>) {add = true}
        %dma_wait3A_127 = arith.constant 0 : i32
        %dma_wait3A_128 = tpu.memref_slice %arg8[%run_scoped3A_110, %dma_wait3A_127] : memref<2x120xi32, #tpu.memory_space<vmem>> -> memref<1x120xi32, #tpu.memory_space<vmem>>
        %dma_wait3A_129 = tpu.memref_squeeze %dma_wait3A_128 : memref<1x120xi32, #tpu.memory_space<vmem>> -> memref<120xi32, #tpu.memory_space<vmem>>
        %dma_wait3A_130 = arith.constant 0 : i32
        %dma_wait3A_131 = arith.constant 0 : i32
        %dma_wait3A_132 = tpu.memref_slice %arg12[%dma_wait3A_130, %dma_wait3A_131] : memref<10240x128xf32, #tpu.memory_space<vmem_shared>> -> memref<10240x128xf32, #tpu.memory_space<vmem_shared>>
        tpu.wait_indirect_dma semaphore(%run_scoped3A_120 : memref<!tpu.dma_semaphore, #tpu.memory_space<semaphore_mem>>) src(%arg11 : memref<120x128xf32, #tpu.memory_space<vmem>>) dst(%dma_wait3A_132 : memref<10240x128xf32, #tpu.memory_space<vmem_shared>>)
        tpu.yield
      }) : () -> ()
      %add3A_111 = arith.constant 160 : i32
      %add3A_112 = arith.addi %add3A_71, %add3A_111 : i32
      "tpu.region"() ({
        %run_scoped3A_120 = tpu.sem_alloc : memref<!tpu.dma_semaphore, #tpu.memory_space<semaphore_mem>>
        %dma_start3A_121 = arith.constant 0 : i32
        %dma_start3A_122 = arith.constant 0 : i32
        %dma_start3A_123 = tpu.memref_slice %arg3[%add3A_112, %dma_start3A_121, %dma_start3A_122] : memref<2688x2x120xi32, #tpu.memory_space<hbm>> -> memref<1x2x120xi32, #tpu.memory_space<hbm>>
        %dma_start3A_124 = tpu.memref_squeeze %dma_start3A_123 : memref<1x2x120xi32, #tpu.memory_space<hbm>> -> memref<2x120xi32, #tpu.memory_space<hbm>>
        %dma_start3A_125 = arith.constant 0 : i32
        %dma_start3A_126 = arith.constant 0 : i32
        %dma_start3A_127 = tpu.memref_slice %arg3[%add3A_112, %dma_start3A_125, %dma_start3A_126] : memref<2688x2x120xi32, #tpu.memory_space<hbm>> -> memref<1x2x120xi32, #tpu.memory_space<hbm>>
        %dma_start3A_128 = tpu.memref_squeeze %dma_start3A_127 : memref<1x2x120xi32, #tpu.memory_space<hbm>> -> memref<2x120xi32, #tpu.memory_space<hbm>>
        tpu.enqueue_dma source(%dma_start3A_128 : memref<2x120xi32, #tpu.memory_space<hbm>>) target(%arg8 : memref<2x120xi32, #tpu.memory_space<vmem>>) target_semaphore(%run_scoped3A_120 : memref<!tpu.dma_semaphore, #tpu.memory_space<semaphore_mem>>)
        %dma_wait3A_129 = arith.constant 0 : i32
        %dma_wait3A_130 = arith.constant 0 : i32
        %dma_wait3A_131 = tpu.memref_slice %arg3[%add3A_112, %dma_wait3A_129, %dma_wait3A_130] : memref<2688x2x120xi32, #tpu.memory_space<hbm>> -> memref<1x2x120xi32, #tpu.memory_space<hbm>>
        %dma_wait3A_132 = tpu.memref_squeeze %dma_wait3A_131 : memref<1x2x120xi32, #tpu.memory_space<hbm>> -> memref<2x120xi32, #tpu.memory_space<hbm>>
        %dma_wait3A_133 = arith.constant 0 : i32
        %dma_wait3A_134 = arith.constant 0 : i32
        %dma_wait3A_135 = tpu.memref_slice %arg3[%add3A_112, %dma_wait3A_133, %dma_wait3A_134] : memref<2688x2x120xi32, #tpu.memory_space<hbm>> -> memref<1x2x120xi32, #tpu.memory_space<hbm>>
        %dma_wait3A_136 = tpu.memref_squeeze %dma_wait3A_135 : memref<1x2x120xi32, #tpu.memory_space<hbm>> -> memref<2x120xi32, #tpu.memory_space<hbm>>
        tpu.wait_dma2 semaphore(%run_scoped3A_120 : memref<!tpu.dma_semaphore, #tpu.memory_space<semaphore_mem>>) src(%dma_wait3A_136 : memref<2x120xi32, #tpu.memory_space<hbm>>) dst(%arg8 : memref<2x120xi32, #tpu.memory_space<vmem>>)
        tpu.yield
      }) : () -> ()
      %dma_start3A_113 = arith.constant 0 : i32
      %dma_start3A_114 = arith.constant 0 : i32
      %dma_start3A_115 = tpu.memref_slice %arg8[%dma_start3A_113, %dma_start3A_114] : memref<2x120xi32, #tpu.memory_space<vmem>> -> memref<1x120xi32, #tpu.memory_space<vmem>>
      %dma_start3A_116 = tpu.memref_squeeze %dma_start3A_115 : memref<1x120xi32, #tpu.memory_space<vmem>> -> memref<120xi32, #tpu.memory_space<vmem>>
      %dma_start3A_117 = arith.constant 0 : i32
      %dma_start3A_118 = arith.constant 0 : i32
      %dma_start3A_119 = tpu.memref_slice %arg2[%dma_start3A_117, %dma_start3A_118] : memref<10000x128xf32, #tpu.memory_space<hbm>> -> memref<10000x128xf32, #tpu.memory_space<hbm>>
      tpu.enqueue_indirect_dma source(%dma_start3A_119 : memref<10000x128xf32, #tpu.memory_space<hbm>>) target(%arg11 : memref<120x128xf32, #tpu.memory_space<vmem>>) offsets(%dma_start3A_116 : memref<120xi32, #tpu.memory_space<vmem>>) semaphore(%arg15 : memref<!tpu.dma_semaphore, #tpu.memory_space<semaphore_mem>>)
    }
    %while3A_41 = arith.constant 1 : i32
    scf.for %while3A_69 = %while3A_39 to %while3A_35 step %while3A_41  : i32 {
      %mul3A_70 = arith.muli %while3A_69, %while3A : i32
      %add3A_71 = arith.addi %add3A, %mul3A_70 : i32
      %dma_wait3A_72 = arith.constant 0 : i32
      %dma_wait3A_73 = arith.constant 0 : i32
      %dma_wait3A_74 = tpu.memref_slice %arg4[%dma_wait3A_72, %dma_wait3A_73] : memref<640x128xf32, #tpu.memory_space<hbm>> -> memref<120x128xf32, #tpu.memory_space<hbm>>
      %dma_wait3A_75 = arith.constant 0 : i32
      %dma_wait3A_76 = arith.constant 0 : i32
      %dma_wait3A_77 = tpu.memref_slice %arg4[%dma_wait3A_75, %dma_wait3A_76] : memref<640x128xf32, #tpu.memory_space<hbm>> -> memref<120x128xf32, #tpu.memory_space<hbm>>
      tpu.wait_dma2 semaphore(%arg13 : memref<!tpu.dma_semaphore, #tpu.memory_space<semaphore_mem>>) src(%dma_wait3A_77 : memref<120x128xf32, #tpu.memory_space<hbm>>) dst(%arg9 : memref<120x128xf32, #tpu.memory_space<vmem>>)
      %run_scoped3A_78 = arith.constant 1 : i32
      "tpu.region"() ({
        %run_scoped3A_120 = tpu.sem_alloc : memref<!tpu.dma_semaphore, #tpu.memory_space<semaphore_mem>>
        %dma_start3A_121 = arith.constant 0 : i32
        %dma_start3A_122 = tpu.memref_slice %arg6[%run_scoped3A_78, %dma_start3A_121] : memref<2x120xi32, #tpu.memory_space<vmem>> -> memref<1x120xi32, #tpu.memory_space<vmem>>
        %dma_start3A_123 = tpu.memref_squeeze %dma_start3A_122 : memref<1x120xi32, #tpu.memory_space<vmem>> -> memref<120xi32, #tpu.memory_space<vmem>>
        %dma_start3A_124 = arith.constant 0 : i32
        %dma_start3A_125 = arith.constant 0 : i32
        %dma_start3A_126 = tpu.memref_slice %arg12[%dma_start3A_124, %dma_start3A_125] : memref<10240x128xf32, #tpu.memory_space<vmem_shared>> -> memref<10240x128xf32, #tpu.memory_space<vmem_shared>>
        tpu.enqueue_indirect_dma source(%arg9 : memref<120x128xf32, #tpu.memory_space<vmem>>) target(%dma_start3A_126 : memref<10240x128xf32, #tpu.memory_space<vmem_shared>>) offsets(%dma_start3A_123 : memref<120xi32, #tpu.memory_space<vmem>>) semaphore(%run_scoped3A_120 : memref<!tpu.dma_semaphore, #tpu.memory_space<semaphore_mem>>) {add = true}
        %dma_wait3A_127 = arith.constant 0 : i32
        %dma_wait3A_128 = tpu.memref_slice %arg6[%run_scoped3A_78, %dma_wait3A_127] : memref<2x120xi32, #tpu.memory_space<vmem>> -> memref<1x120xi32, #tpu.memory_space<vmem>>
        %dma_wait3A_129 = tpu.memref_squeeze %dma_wait3A_128 : memref<1x120xi32, #tpu.memory_space<vmem>> -> memref<120xi32, #tpu.memory_space<vmem>>
        %dma_wait3A_130 = arith.constant 0 : i32
        %dma_wait3A_131 = arith.constant 0 : i32
        %dma_wait3A_132 = tpu.memref_slice %arg12[%dma_wait3A_130, %dma_wait3A_131] : memref<10240x128xf32, #tpu.memory_space<vmem_shared>> -> memref<10240x128xf32, #tpu.memory_space<vmem_shared>>
        tpu.wait_indirect_dma semaphore(%run_scoped3A_120 : memref<!tpu.dma_semaphore, #tpu.memory_space<semaphore_mem>>) src(%arg9 : memref<120x128xf32, #tpu.memory_space<vmem>>) dst(%dma_wait3A_132 : memref<10240x128xf32, #tpu.memory_space<vmem_shared>>)
        tpu.yield
      }) : () -> ()
      %add3A_79 = arith.constant 96 : i32
      %add3A_80 = arith.addi %add3A_71, %add3A_79 : i32
      "tpu.region"() ({
        %run_scoped3A_120 = tpu.sem_alloc : memref<!tpu.dma_semaphore, #tpu.memory_space<semaphore_mem>>
        %dma_start3A_121 = arith.constant 0 : i32
        %dma_start3A_122 = arith.constant 0 : i32
        %dma_start3A_123 = tpu.memref_slice %arg3[%add3A_80, %dma_start3A_121, %dma_start3A_122] : memref<2688x2x120xi32, #tpu.memory_space<hbm>> -> memref<1x2x120xi32, #tpu.memory_space<hbm>>
        %dma_start3A_124 = tpu.memref_squeeze %dma_start3A_123 : memref<1x2x120xi32, #tpu.memory_space<hbm>> -> memref<2x120xi32, #tpu.memory_space<hbm>>
        %dma_start3A_125 = arith.constant 0 : i32
        %dma_start3A_126 = arith.constant 0 : i32
        %dma_start3A_127 = tpu.memref_slice %arg3[%add3A_80, %dma_start3A_125, %dma_start3A_126] : memref<2688x2x120xi32, #tpu.memory_space<hbm>> -> memref<1x2x120xi32, #tpu.memory_space<hbm>>
        %dma_start3A_128 = tpu.memref_squeeze %dma_start3A_127 : memref<1x2x120xi32, #tpu.memory_space<hbm>> -> memref<2x120xi32, #tpu.memory_space<hbm>>
        tpu.enqueue_dma source(%dma_start3A_128 : memref<2x120xi32, #tpu.memory_space<hbm>>) target(%arg6 : memref<2x120xi32, #tpu.memory_space<vmem>>) target_semaphore(%run_scoped3A_120 : memref<!tpu.dma_semaphore, #tpu.memory_space<semaphore_mem>>)
        %dma_wait3A_129 = arith.constant 0 : i32
        %dma_wait3A_130 = arith.constant 0 : i32
        %dma_wait3A_131 = tpu.memref_slice %arg3[%add3A_80, %dma_wait3A_129, %dma_wait3A_130] : memref<2688x2x120xi32, #tpu.memory_space<hbm>> -> memref<1x2x120xi32, #tpu.memory_space<hbm>>
        %dma_wait3A_132 = tpu.memref_squeeze %dma_wait3A_131 : memref<1x2x120xi32, #tpu.memory_space<hbm>> -> memref<2x120xi32, #tpu.memory_space<hbm>>
        %dma_wait3A_133 = arith.constant 0 : i32
        %dma_wait3A_134 = arith.constant 0 : i32
        %dma_wait3A_135 = tpu.memref_slice %arg3[%add3A_80, %dma_wait3A_133, %dma_wait3A_134] : memref<2688x2x120xi32, #tpu.memory_space<hbm>> -> memref<1x2x120xi32, #tpu.memory_space<hbm>>
        %dma_wait3A_136 = tpu.memref_squeeze %dma_wait3A_135 : memref<1x2x120xi32, #tpu.memory_space<hbm>> -> memref<2x120xi32, #tpu.memory_space<hbm>>
        tpu.wait_dma2 semaphore(%run_scoped3A_120 : memref<!tpu.dma_semaphore, #tpu.memory_space<semaphore_mem>>) src(%dma_wait3A_136 : memref<2x120xi32, #tpu.memory_space<hbm>>) dst(%arg6 : memref<2x120xi32, #tpu.memory_space<vmem>>)
        tpu.yield
      }) : () -> ()
      %dma_start3A_81 = arith.constant 0 : i32
      %dma_start3A_82 = arith.constant 0 : i32
      %dma_start3A_83 = tpu.memref_slice %arg6[%dma_start3A_81, %dma_start3A_82] : memref<2x120xi32, #tpu.memory_space<vmem>> -> memref<1x120xi32, #tpu.memory_space<vmem>>
      %dma_start3A_84 = tpu.memref_squeeze %dma_start3A_83 : memref<1x120xi32, #tpu.memory_space<vmem>> -> memref<120xi32, #tpu.memory_space<vmem>>
      %dma_start3A_85 = arith.constant 0 : i32
      %dma_start3A_86 = arith.constant 0 : i32
      %dma_start3A_87 = tpu.memref_slice %arg2[%dma_start3A_85, %dma_start3A_86] : memref<10000x128xf32, #tpu.memory_space<hbm>> -> memref<10000x128xf32, #tpu.memory_space<hbm>>
      tpu.enqueue_indirect_dma source(%dma_start3A_87 : memref<10000x128xf32, #tpu.memory_space<hbm>>) target(%arg9 : memref<120x128xf32, #tpu.memory_space<vmem>>) offsets(%dma_start3A_84 : memref<120xi32, #tpu.memory_space<vmem>>) semaphore(%arg13 : memref<!tpu.dma_semaphore, #tpu.memory_space<semaphore_mem>>)
      %dma_wait3A_88 = arith.constant 0 : i32
      %dma_wait3A_89 = arith.constant 0 : i32
      %dma_wait3A_90 = tpu.memref_slice %arg4[%dma_wait3A_88, %dma_wait3A_89] : memref<640x128xf32, #tpu.memory_space<hbm>> -> memref<120x128xf32, #tpu.memory_space<hbm>>
      %dma_wait3A_91 = arith.constant 0 : i32
      %dma_wait3A_92 = arith.constant 0 : i32
      %dma_wait3A_93 = tpu.memref_slice %arg4[%dma_wait3A_91, %dma_wait3A_92] : memref<640x128xf32, #tpu.memory_space<hbm>> -> memref<120x128xf32, #tpu.memory_space<hbm>>
      tpu.wait_dma2 semaphore(%arg14 : memref<!tpu.dma_semaphore, #tpu.memory_space<semaphore_mem>>) src(%dma_wait3A_93 : memref<120x128xf32, #tpu.memory_space<hbm>>) dst(%arg10 : memref<120x128xf32, #tpu.memory_space<vmem>>)
      %run_scoped3A_94 = arith.constant 1 : i32
      "tpu.region"() ({
        %run_scoped3A_120 = tpu.sem_alloc : memref<!tpu.dma_semaphore, #tpu.memory_space<semaphore_mem>>
        %dma_start3A_121 = arith.constant 0 : i32
        %dma_start3A_122 = tpu.memref_slice %arg7[%run_scoped3A_94, %dma_start3A_121] : memref<2x120xi32, #tpu.memory_space<vmem>> -> memref<1x120xi32, #tpu.memory_space<vmem>>
        %dma_start3A_123 = tpu.memref_squeeze %dma_start3A_122 : memref<1x120xi32, #tpu.memory_space<vmem>> -> memref<120xi32, #tpu.memory_space<vmem>>
        %dma_start3A_124 = arith.constant 0 : i32
        %dma_start3A_125 = arith.constant 0 : i32
        %dma_start3A_126 = tpu.memref_slice %arg12[%dma_start3A_124, %dma_start3A_125] : memref<10240x128xf32, #tpu.memory_space<vmem_shared>> -> memref<10240x128xf32, #tpu.memory_space<vmem_shared>>
        tpu.enqueue_indirect_dma source(%arg10 : memref<120x128xf32, #tpu.memory_space<vmem>>) target(%dma_start3A_126 : memref<10240x128xf32, #tpu.memory_space<vmem_shared>>) offsets(%dma_start3A_123 : memref<120xi32, #tpu.memory_space<vmem>>) semaphore(%run_scoped3A_120 : memref<!tpu.dma_semaphore, #tpu.memory_space<semaphore_mem>>) {add = true}
        %dma_wait3A_127 = arith.constant 0 : i32
        %dma_wait3A_128 = tpu.memref_slice %arg7[%run_scoped3A_94, %dma_wait3A_127] : memref<2x120xi32, #tpu.memory_space<vmem>> -> memref<1x120xi32, #tpu.memory_space<vmem>>
        %dma_wait3A_129 = tpu.memref_squeeze %dma_wait3A_128 : memref<1x120xi32, #tpu.memory_space<vmem>> -> memref<120xi32, #tpu.memory_space<vmem>>
        %dma_wait3A_130 = arith.constant 0 : i32
        %dma_wait3A_131 = arith.constant 0 : i32
        %dma_wait3A_132 = tpu.memref_slice %arg12[%dma_wait3A_130, %dma_wait3A_131] : memref<10240x128xf32, #tpu.memory_space<vmem_shared>> -> memref<10240x128xf32, #tpu.memory_space<vmem_shared>>
        tpu.wait_indirect_dma semaphore(%run_scoped3A_120 : memref<!tpu.dma_semaphore, #tpu.memory_space<semaphore_mem>>) src(%arg10 : memref<120x128xf32, #tpu.memory_space<vmem>>) dst(%dma_wait3A_132 : memref<10240x128xf32, #tpu.memory_space<vmem_shared>>)
        tpu.yield
      }) : () -> ()
      %add3A_95 = arith.constant 128 : i32
      %add3A_96 = arith.addi %add3A_71, %add3A_95 : i32
      "tpu.region"() ({
        %run_scoped3A_120 = tpu.sem_alloc : memref<!tpu.dma_semaphore, #tpu.memory_space<semaphore_mem>>
        %dma_start3A_121 = arith.constant 0 : i32
        %dma_start3A_122 = arith.constant 0 : i32
        %dma_start3A_123 = tpu.memref_slice %arg3[%add3A_96, %dma_start3A_121, %dma_start3A_122] : memref<2688x2x120xi32, #tpu.memory_space<hbm>> -> memref<1x2x120xi32, #tpu.memory_space<hbm>>
        %dma_start3A_124 = tpu.memref_squeeze %dma_start3A_123 : memref<1x2x120xi32, #tpu.memory_space<hbm>> -> memref<2x120xi32, #tpu.memory_space<hbm>>
        %dma_start3A_125 = arith.constant 0 : i32
        %dma_start3A_126 = arith.constant 0 : i32
        %dma_start3A_127 = tpu.memref_slice %arg3[%add3A_96, %dma_start3A_125, %dma_start3A_126] : memref<2688x2x120xi32, #tpu.memory_space<hbm>> -> memref<1x2x120xi32, #tpu.memory_space<hbm>>
        %dma_start3A_128 = tpu.memref_squeeze %dma_start3A_127 : memref<1x2x120xi32, #tpu.memory_space<hbm>> -> memref<2x120xi32, #tpu.memory_space<hbm>>
        tpu.enqueue_dma source(%dma_start3A_128 : memref<2x120xi32, #tpu.memory_space<hbm>>) target(%arg7 : memref<2x120xi32, #tpu.memory_space<vmem>>) target_semaphore(%run_scoped3A_120 : memref<!tpu.dma_semaphore, #tpu.memory_space<semaphore_mem>>)
        %dma_wait3A_129 = arith.constant 0 : i32
        %dma_wait3A_130 = arith.constant 0 : i32
        %dma_wait3A_131 = tpu.memref_slice %arg3[%add3A_96, %dma_wait3A_129, %dma_wait3A_130] : memref<2688x2x120xi32, #tpu.memory_space<hbm>> -> memref<1x2x120xi32, #tpu.memory_space<hbm>>
        %dma_wait3A_132 = tpu.memref_squeeze %dma_wait3A_131 : memref<1x2x120xi32, #tpu.memory_space<hbm>> -> memref<2x120xi32, #tpu.memory_space<hbm>>
        %dma_wait3A_133 = arith.constant 0 : i32
        %dma_wait3A_134 = arith.constant 0 : i32
        %dma_wait3A_135 = tpu.memref_slice %arg3[%add3A_96, %dma_wait3A_133, %dma_wait3A_134] : memref<2688x2x120xi32, #tpu.memory_space<hbm>> -> memref<1x2x120xi32, #tpu.memory_space<hbm>>
        %dma_wait3A_136 = tpu.memref_squeeze %dma_wait3A_135 : memref<1x2x120xi32, #tpu.memory_space<hbm>> -> memref<2x120xi32, #tpu.memory_space<hbm>>
        tpu.wait_dma2 semaphore(%run_scoped3A_120 : memref<!tpu.dma_semaphore, #tpu.memory_space<semaphore_mem>>) src(%dma_wait3A_136 : memref<2x120xi32, #tpu.memory_space<hbm>>) dst(%arg7 : memref<2x120xi32, #tpu.memory_space<vmem>>)
        tpu.yield
      }) : () -> ()
      %dma_start3A_97 = arith.constant 0 : i32
      %dma_start3A_98 = arith.constant 0 : i32
      %dma_start3A_99 = tpu.memref_slice %arg7[%dma_start3A_97, %dma_start3A_98] : memref<2x120xi32, #tpu.memory_space<vmem>> -> memref<1x120xi32, #tpu.memory_space<vmem>>
      %dma_start3A_100 = tpu.memref_squeeze %dma_start3A_99 : memref<1x120xi32, #tpu.memory_space<vmem>> -> memref<120xi32, #tpu.memory_space<vmem>>
      %dma_start3A_101 = arith.constant 0 : i32
      %dma_start3A_102 = arith.constant 0 : i32
      %dma_start3A_103 = tpu.memref_slice %arg2[%dma_start3A_101, %dma_start3A_102] : memref<10000x128xf32, #tpu.memory_space<hbm>> -> memref<10000x128xf32, #tpu.memory_space<hbm>>
      tpu.enqueue_indirect_dma source(%dma_start3A_103 : memref<10000x128xf32, #tpu.memory_space<hbm>>) target(%arg10 : memref<120x128xf32, #tpu.memory_space<vmem>>) offsets(%dma_start3A_100 : memref<120xi32, #tpu.memory_space<vmem>>) semaphore(%arg14 : memref<!tpu.dma_semaphore, #tpu.memory_space<semaphore_mem>>)
      %dma_wait3A_104 = arith.constant 0 : i32
      %dma_wait3A_105 = arith.constant 0 : i32
      %dma_wait3A_106 = tpu.memref_slice %arg4[%dma_wait3A_104, %dma_wait3A_105] : memref<640x128xf32, #tpu.memory_space<hbm>> -> memref<120x128xf32, #tpu.memory_space<hbm>>
      %dma_wait3A_107 = arith.constant 0 : i32
      %dma_wait3A_108 = arith.constant 0 : i32
      %dma_wait3A_109 = tpu.memref_slice %arg4[%dma_wait3A_107, %dma_wait3A_108] : memref<640x128xf32, #tpu.memory_space<hbm>> -> memref<120x128xf32, #tpu.memory_space<hbm>>
      tpu.wait_dma2 semaphore(%arg15 : memref<!tpu.dma_semaphore, #tpu.memory_space<semaphore_mem>>) src(%dma_wait3A_109 : memref<120x128xf32, #tpu.memory_space<hbm>>) dst(%arg11 : memref<120x128xf32, #tpu.memory_space<vmem>>)
      %run_scoped3A_110 = arith.constant 1 : i32
      "tpu.region"() ({
        %run_scoped3A_120 = tpu.sem_alloc : memref<!tpu.dma_semaphore, #tpu.memory_space<semaphore_mem>>
        %dma_start3A_121 = arith.constant 0 : i32
        %dma_start3A_122 = tpu.memref_slice %arg8[%run_scoped3A_110, %dma_start3A_121] : memref<2x120xi32, #tpu.memory_space<vmem>> -> memref<1x120xi32, #tpu.memory_space<vmem>>
        %dma_start3A_123 = tpu.memref_squeeze %dma_start3A_122 : memref<1x120xi32, #tpu.memory_space<vmem>> -> memref<120xi32, #tpu.memory_space<vmem>>
        %dma_start3A_124 = arith.constant 0 : i32
        %dma_start3A_125 = arith.constant 0 : i32
        %dma_start3A_126 = tpu.memref_slice %arg12[%dma_start3A_124, %dma_start3A_125] : memref<10240x128xf32, #tpu.memory_space<vmem_shared>> -> memref<10240x128xf32, #tpu.memory_space<vmem_shared>>
        tpu.enqueue_indirect_dma source(%arg11 : memref<120x128xf32, #tpu.memory_space<vmem>>) target(%dma_start3A_126 : memref<10240x128xf32, #tpu.memory_space<vmem_shared>>) offsets(%dma_start3A_123 : memref<120xi32, #tpu.memory_space<vmem>>) semaphore(%run_scoped3A_120 : memref<!tpu.dma_semaphore, #tpu.memory_space<semaphore_mem>>) {add = true}
        %dma_wait3A_127 = arith.constant 0 : i32
        %dma_wait3A_128 = tpu.memref_slice %arg8[%run_scoped3A_110, %dma_wait3A_127] : memref<2x120xi32, #tpu.memory_space<vmem>> -> memref<1x120xi32, #tpu.memory_space<vmem>>
        %dma_wait3A_129 = tpu.memref_squeeze %dma_wait3A_128 : memref<1x120xi32, #tpu.memory_space<vmem>> -> memref<120xi32, #tpu.memory_space<vmem>>
        %dma_wait3A_130 = arith.constant 0 : i32
        %dma_wait3A_131 = arith.constant 0 : i32
        %dma_wait3A_132 = tpu.memref_slice %arg12[%dma_wait3A_130, %dma_wait3A_131] : memref<10240x128xf32, #tpu.memory_space<vmem_shared>> -> memref<10240x128xf32, #tpu.memory_space<vmem_shared>>
        tpu.wait_indirect_dma semaphore(%run_scoped3A_120 : memref<!tpu.dma_semaphore, #tpu.memory_space<semaphore_mem>>) src(%arg11 : memref<120x128xf32, #tpu.memory_space<vmem>>) dst(%dma_wait3A_132 : memref<10240x128xf32, #tpu.memory_space<vmem_shared>>)
        tpu.yield
      }) : () -> ()
      %add3A_111 = arith.constant 160 : i32
      %add3A_112 = arith.addi %add3A_71, %add3A_111 : i32
      "tpu.region"() ({
        %run_scoped3A_120 = tpu.sem_alloc : memref<!tpu.dma_semaphore, #tpu.memory_space<semaphore_mem>>
        %dma_start3A_121 = arith.constant 0 : i32
        %dma_start3A_122 = arith.constant 0 : i32
        %dma_start3A_123 = tpu.memref_slice %arg3[%add3A_112, %dma_start3A_121, %dma_start3A_122] : memref<2688x2x120xi32, #tpu.memory_space<hbm>> -> memref<1x2x120xi32, #tpu.memory_space<hbm>>
        %dma_start3A_124 = tpu.memref_squeeze %dma_start3A_123 : memref<1x2x120xi32, #tpu.memory_space<hbm>> -> memref<2x120xi32, #tpu.memory_space<hbm>>
        %dma_start3A_125 = arith.constant 0 : i32
        %dma_start3A_126 = arith.constant 0 : i32
        %dma_start3A_127 = tpu.memref_slice %arg3[%add3A_112, %dma_start3A_125, %dma_start3A_126] : memref<2688x2x120xi32, #tpu.memory_space<hbm>> -> memref<1x2x120xi32, #tpu.memory_space<hbm>>
        %dma_start3A_128 = tpu.memref_squeeze %dma_start3A_127 : memref<1x2x120xi32, #tpu.memory_space<hbm>> -> memref<2x120xi32, #tpu.memory_space<hbm>>
        tpu.enqueue_dma source(%dma_start3A_128 : memref<2x120xi32, #tpu.memory_space<hbm>>) target(%arg8 : memref<2x120xi32, #tpu.memory_space<vmem>>) target_semaphore(%run_scoped3A_120 : memref<!tpu.dma_semaphore, #tpu.memory_space<semaphore_mem>>)
        %dma_wait3A_129 = arith.constant 0 : i32
        %dma_wait3A_130 = arith.constant 0 : i32
        %dma_wait3A_131 = tpu.memref_slice %arg3[%add3A_112, %dma_wait3A_129, %dma_wait3A_130] : memref<2688x2x120xi32, #tpu.memory_space<hbm>> -> memref<1x2x120xi32, #tpu.memory_space<hbm>>
        %dma_wait3A_132 = tpu.memref_squeeze %dma_wait3A_131 : memref<1x2x120xi32, #tpu.memory_space<hbm>> -> memref<2x120xi32, #tpu.memory_space<hbm>>
        %dma_wait3A_133 = arith.constant 0 : i32
        %dma_wait3A_134 = arith.constant 0 : i32
        %dma_wait3A_135 = tpu.memref_slice %arg3[%add3A_112, %dma_wait3A_133, %dma_wait3A_134] : memref<2688x2x120xi32, #tpu.memory_space<hbm>> -> memref<1x2x120xi32, #tpu.memory_space<hbm>>
        %dma_wait3A_136 = tpu.memref_squeeze %dma_wait3A_135 : memref<1x2x120xi32, #tpu.memory_space<hbm>> -> memref<2x120xi32, #tpu.memory_space<hbm>>
        tpu.wait_dma2 semaphore(%run_scoped3A_120 : memref<!tpu.dma_semaphore, #tpu.memory_space<semaphore_mem>>) src(%dma_wait3A_136 : memref<2x120xi32, #tpu.memory_space<hbm>>) dst(%arg8 : memref<2x120xi32, #tpu.memory_space<vmem>>)
        tpu.yield
      }) : () -> ()
      %dma_start3A_113 = arith.constant 0 : i32
      %dma_start3A_114 = arith.constant 0 : i32
      %dma_start3A_115 = tpu.memref_slice %arg8[%dma_start3A_113, %dma_start3A_114] : memref<2x120xi32, #tpu.memory_space<vmem>> -> memref<1x120xi32, #tpu.memory_space<vmem>>
      %dma_start3A_116 = tpu.memref_squeeze %dma_start3A_115 : memref<1x120xi32, #tpu.memory_space<vmem>> -> memref<120xi32, #tpu.memory_space<vmem>>
      %dma_start3A_117 = arith.constant 0 : i32
      %dma_start3A_118 = arith.constant 0 : i32
      %dma_start3A_119 = tpu.memref_slice %arg2[%dma_start3A_117, %dma_start3A_118] : memref<10000x128xf32, #tpu.memory_space<hbm>> -> memref<10000x128xf32, #tpu.memory_space<hbm>>
      tpu.enqueue_indirect_dma source(%dma_start3A_119 : memref<10000x128xf32, #tpu.memory_space<hbm>>) target(%arg11 : memref<120x128xf32, #tpu.memory_space<vmem>>) offsets(%dma_start3A_116 : memref<120xi32, #tpu.memory_space<vmem>>) semaphore(%arg15 : memref<!tpu.dma_semaphore, #tpu.memory_space<semaphore_mem>>)
    }
    %dma_wait3A = arith.constant 0 : i32
    %dma_wait3A_42 = arith.constant 0 : i32
    %dma_wait3A_43 = tpu.memref_slice %arg4[%dma_wait3A, %dma_wait3A_42] : memref<640x128xf32, #tpu.memory_space<hbm>> -> memref<120x128xf32, #tpu.memory_space<hbm>>
    %dma_wait3A_44 = arith.constant 0 : i32
    %dma_wait3A_45 = arith.constant 0 : i32
    %dma_wait3A_46 = tpu.memref_slice %arg4[%dma_wait3A_44, %dma_wait3A_45] : memref<640x128xf32, #tpu.memory_space<hbm>> -> memref<120x128xf32, #tpu.memory_space<hbm>>
    tpu.wait_dma2 semaphore(%arg13 : memref<!tpu.dma_semaphore, #tpu.memory_space<semaphore_mem>>) src(%dma_wait3A_46 : memref<120x128xf32, #tpu.memory_space<hbm>>) dst(%arg9 : memref<120x128xf32, #tpu.memory_space<vmem>>)
    %run_scoped3A = arith.constant 1 : i32
    "tpu.region"() ({
      %run_scoped3A_69 = tpu.sem_alloc : memref<!tpu.dma_semaphore, #tpu.memory_space<semaphore_mem>>
      %dma_start3A_70 = arith.constant 0 : i32
      %dma_start3A_71 = tpu.memref_slice %arg6[%run_scoped3A, %dma_start3A_70] : memref<2x120xi32, #tpu.memory_space<vmem>> -> memref<1x120xi32, #tpu.memory_space<vmem>>
      %dma_start3A_72 = tpu.memref_squeeze %dma_start3A_71 : memref<1x120xi32, #tpu.memory_space<vmem>> -> memref<120xi32, #tpu.memory_space<vmem>>
      %dma_start3A_73 = arith.constant 0 : i32
      %dma_start3A_74 = arith.constant 0 : i32
      %dma_start3A_75 = tpu.memref_slice %arg12[%dma_start3A_73, %dma_start3A_74] : memref<10240x128xf32, #tpu.memory_space<vmem_shared>> -> memref<10240x128xf32, #tpu.memory_space<vmem_shared>>
      tpu.enqueue_indirect_dma source(%arg9 : memref<120x128xf32, #tpu.memory_space<vmem>>) target(%dma_start3A_75 : memref<10240x128xf32, #tpu.memory_space<vmem_shared>>) offsets(%dma_start3A_72 : memref<120xi32, #tpu.memory_space<vmem>>) semaphore(%run_scoped3A_69 : memref<!tpu.dma_semaphore, #tpu.memory_space<semaphore_mem>>) {add = true}
      %dma_wait3A_76 = arith.constant 0 : i32
      %dma_wait3A_77 = tpu.memref_slice %arg6[%run_scoped3A, %dma_wait3A_76] : memref<2x120xi32, #tpu.memory_space<vmem>> -> memref<1x120xi32, #tpu.memory_space<vmem>>
      %dma_wait3A_78 = tpu.memref_squeeze %dma_wait3A_77 : memref<1x120xi32, #tpu.memory_space<vmem>> -> memref<120xi32, #tpu.memory_space<vmem>>
      %dma_wait3A_79 = arith.constant 0 : i32
      %dma_wait3A_80 = arith.constant 0 : i32
      %dma_wait3A_81 = tpu.memref_slice %arg12[%dma_wait3A_79, %dma_wait3A_80] : memref<10240x128xf32, #tpu.memory_space<vmem_shared>> -> memref<10240x128xf32, #tpu.memory_space<vmem_shared>>
      tpu.wait_indirect_dma semaphore(%run_scoped3A_69 : memref<!tpu.dma_semaphore, #tpu.memory_space<semaphore_mem>>) src(%arg9 : memref<120x128xf32, #tpu.memory_space<vmem>>) dst(%dma_wait3A_81 : memref<10240x128xf32, #tpu.memory_space<vmem_shared>>)
      tpu.yield
    }) : () -> ()
    %dma_wait3A_47 = arith.constant 0 : i32
    %dma_wait3A_48 = arith.constant 0 : i32
    %dma_wait3A_49 = tpu.memref_slice %arg4[%dma_wait3A_47, %dma_wait3A_48] : memref<640x128xf32, #tpu.memory_space<hbm>> -> memref<120x128xf32, #tpu.memory_space<hbm>>
    %dma_wait3A_50 = arith.constant 0 : i32
    %dma_wait3A_51 = arith.constant 0 : i32
    %dma_wait3A_52 = tpu.memref_slice %arg4[%dma_wait3A_50, %dma_wait3A_51] : memref<640x128xf32, #tpu.memory_space<hbm>> -> memref<120x128xf32, #tpu.memory_space<hbm>>
    tpu.wait_dma2 semaphore(%arg14 : memref<!tpu.dma_semaphore, #tpu.memory_space<semaphore_mem>>) src(%dma_wait3A_52 : memref<120x128xf32, #tpu.memory_space<hbm>>) dst(%arg10 : memref<120x128xf32, #tpu.memory_space<vmem>>)
    %run_scoped3A_53 = arith.constant 1 : i32
    "tpu.region"() ({
      %run_scoped3A_69 = tpu.sem_alloc : memref<!tpu.dma_semaphore, #tpu.memory_space<semaphore_mem>>
      %dma_start3A_70 = arith.constant 0 : i32
      %dma_start3A_71 = tpu.memref_slice %arg7[%run_scoped3A_53, %dma_start3A_70] : memref<2x120xi32, #tpu.memory_space<vmem>> -> memref<1x120xi32, #tpu.memory_space<vmem>>
      %dma_start3A_72 = tpu.memref_squeeze %dma_start3A_71 : memref<1x120xi32, #tpu.memory_space<vmem>> -> memref<120xi32, #tpu.memory_space<vmem>>
      %dma_start3A_73 = arith.constant 0 : i32
      %dma_start3A_74 = arith.constant 0 : i32
      %dma_start3A_75 = tpu.memref_slice %arg12[%dma_start3A_73, %dma_start3A_74] : memref<10240x128xf32, #tpu.memory_space<vmem_shared>> -> memref<10240x128xf32, #tpu.memory_space<vmem_shared>>
      tpu.enqueue_indirect_dma source(%arg10 : memref<120x128xf32, #tpu.memory_space<vmem>>) target(%dma_start3A_75 : memref<10240x128xf32, #tpu.memory_space<vmem_shared>>) offsets(%dma_start3A_72 : memref<120xi32, #tpu.memory_space<vmem>>) semaphore(%run_scoped3A_69 : memref<!tpu.dma_semaphore, #tpu.memory_space<semaphore_mem>>) {add = true}
      %dma_wait3A_76 = arith.constant 0 : i32
      %dma_wait3A_77 = tpu.memref_slice %arg7[%run_scoped3A_53, %dma_wait3A_76] : memref<2x120xi32, #tpu.memory_space<vmem>> -> memref<1x120xi32, #tpu.memory_space<vmem>>
      %dma_wait3A_78 = tpu.memref_squeeze %dma_wait3A_77 : memref<1x120xi32, #tpu.memory_space<vmem>> -> memref<120xi32, #tpu.memory_space<vmem>>
      %dma_wait3A_79 = arith.constant 0 : i32
      %dma_wait3A_80 = arith.constant 0 : i32
      %dma_wait3A_81 = tpu.memref_slice %arg12[%dma_wait3A_79, %dma_wait3A_80] : memref<10240x128xf32, #tpu.memory_space<vmem_shared>> -> memref<10240x128xf32, #tpu.memory_space<vmem_shared>>
      tpu.wait_indirect_dma semaphore(%run_scoped3A_69 : memref<!tpu.dma_semaphore, #tpu.memory_space<semaphore_mem>>) src(%arg10 : memref<120x128xf32, #tpu.memory_space<vmem>>) dst(%dma_wait3A_81 : memref<10240x128xf32, #tpu.memory_space<vmem_shared>>)
      tpu.yield
    }) : () -> ()
    %dma_wait3A_54 = arith.constant 0 : i32
    %dma_wait3A_55 = arith.constant 0 : i32
    %dma_wait3A_56 = tpu.memref_slice %arg4[%dma_wait3A_54, %dma_wait3A_55] : memref<640x128xf32, #tpu.memory_space<hbm>> -> memref<120x128xf32, #tpu.memory_space<hbm>>
    %dma_wait3A_57 = arith.constant 0 : i32
    %dma_wait3A_58 = arith.constant 0 : i32
    %dma_wait3A_59 = tpu.memref_slice %arg4[%dma_wait3A_57, %dma_wait3A_58] : memref<640x128xf32, #tpu.memory_space<hbm>> -> memref<120x128xf32, #tpu.memory_space<hbm>>
    tpu.wait_dma2 semaphore(%arg15 : memref<!tpu.dma_semaphore, #tpu.memory_space<semaphore_mem>>) src(%dma_wait3A_59 : memref<120x128xf32, #tpu.memory_space<hbm>>) dst(%arg11 : memref<120x128xf32, #tpu.memory_space<vmem>>)
    %run_scoped3A_60 = arith.constant 1 : i32
    "tpu.region"() ({
      %run_scoped3A_69 = tpu.sem_alloc : memref<!tpu.dma_semaphore, #tpu.memory_space<semaphore_mem>>
      %dma_start3A_70 = arith.constant 0 : i32
      %dma_start3A_71 = tpu.memref_slice %arg8[%run_scoped3A_60, %dma_start3A_70] : memref<2x120xi32, #tpu.memory_space<vmem>> -> memref<1x120xi32, #tpu.memory_space<vmem>>
      %dma_start3A_72 = tpu.memref_squeeze %dma_start3A_71 : memref<1x120xi32, #tpu.memory_space<vmem>> -> memref<120xi32, #tpu.memory_space<vmem>>
      %dma_start3A_73 = arith.constant 0 : i32
      %dma_start3A_74 = arith.constant 0 : i32
      %dma_start3A_75 = tpu.memref_slice %arg12[%dma_start3A_73, %dma_start3A_74] : memref<10240x128xf32, #tpu.memory_space<vmem_shared>> -> memref<10240x128xf32, #tpu.memory_space<vmem_shared>>
      tpu.enqueue_indirect_dma source(%arg11 : memref<120x128xf32, #tpu.memory_space<vmem>>) target(%dma_start3A_75 : memref<10240x128xf32, #tpu.memory_space<vmem_shared>>) offsets(%dma_start3A_72 : memref<120xi32, #tpu.memory_space<vmem>>) semaphore(%run_scoped3A_69 : memref<!tpu.dma_semaphore, #tpu.memory_space<semaphore_mem>>) {add = true}
      %dma_wait3A_76 = arith.constant 0 : i32
      %dma_wait3A_77 = tpu.memref_slice %arg8[%run_scoped3A_60, %dma_wait3A_76] : memref<2x120xi32, #tpu.memory_space<vmem>> -> memref<1x120xi32, #tpu.memory_space<vmem>>
      %dma_wait3A_78 = tpu.memref_squeeze %dma_wait3A_77 : memref<1x120xi32, #tpu.memory_space<vmem>> -> memref<120xi32, #tpu.memory_space<vmem>>
      %dma_wait3A_79 = arith.constant 0 : i32
      %dma_wait3A_80 = arith.constant 0 : i32
      %dma_wait3A_81 = tpu.memref_slice %arg12[%dma_wait3A_79, %dma_wait3A_80] : memref<10240x128xf32, #tpu.memory_space<vmem_shared>> -> memref<10240x128xf32, #tpu.memory_space<vmem_shared>>
      tpu.wait_indirect_dma semaphore(%run_scoped3A_69 : memref<!tpu.dma_semaphore, #tpu.memory_space<semaphore_mem>>) src(%arg11 : memref<120x128xf32, #tpu.memory_space<vmem>>) dst(%dma_wait3A_81 : memref<10240x128xf32, #tpu.memory_space<vmem_shared>>)
      tpu.yield
    }) : () -> ()
    %barrier3A_61 = arith.constant 0 : index
    tpu.barrier barrier_id(%barrier3A_61)
    %mul3A_62 = arith.constant 640 : i32
    %mul3A_63 = arith.muli %arg1, %mul3A_62 : i32
    %mul3A_64 = arith.constant 10240 : i32
    %mul3A_65 = arith.muli %arg0, %mul3A_64 : i32
    %mul3A_66 = arith.constant 640 : i32
    %mul3A_67 = arith.muli %arg1, %mul3A_66 : i32
    %add3A_68 = arith.addi %mul3A_65, %mul3A_67 : i32
    "tpu.region"() ({
      %run_scoped3A_69 = tpu.sem_alloc : memref<!tpu.dma_semaphore, #tpu.memory_space<semaphore_mem>>
      %dma_start3A_70 = arith.constant 0 : i32
      %dma_start3A_71 = tpu.memref_slice %arg5[%add3A_68, %dma_start3A_70] : memref<20480x128xf32, #tpu.memory_space<hbm>> -> memref<640x128xf32, #tpu.memory_space<hbm>>
      %dma_start3A_72 = arith.constant 0 : i32
      %dma_start3A_73 = tpu.memref_slice %arg12[%mul3A_63, %dma_start3A_72] : memref<10240x128xf32, #tpu.memory_space<vmem_shared>> -> memref<640x128xf32, #tpu.memory_space<vmem_shared>>
      tpu.enqueue_dma source(%dma_start3A_73 : memref<640x128xf32, #tpu.memory_space<vmem_shared>>) target(%dma_start3A_71 : memref<640x128xf32, #tpu.memory_space<hbm>>) target_semaphore(%run_scoped3A_69 : memref<!tpu.dma_semaphore, #tpu.memory_space<semaphore_mem>>)
      %dma_wait3A_74 = arith.constant 0 : i32
      %dma_wait3A_75 = tpu.memref_slice %arg5[%add3A_68, %dma_wait3A_74] : memref<20480x128xf32, #tpu.memory_space<hbm>> -> memref<640x128xf32, #tpu.memory_space<hbm>>
      %dma_wait3A_76 = arith.constant 0 : i32
      %dma_wait3A_77 = tpu.memref_slice %arg12[%mul3A_63, %dma_wait3A_76] : memref<10240x128xf32, #tpu.memory_space<vmem_shared>> -> memref<640x128xf32, #tpu.memory_space<vmem_shared>>
      tpu.wait_dma2 semaphore(%run_scoped3A_69 : memref<!tpu.dma_semaphore, #tpu.memory_space<semaphore_mem>>) src(%dma_wait3A_77 : memref<640x128xf32, #tpu.memory_space<vmem_shared>>) dst(%dma_wait3A_75 : memref<640x128xf32, #tpu.memory_space<hbm>>)
      tpu.yield
    }) : () -> ()
    return
  }
}

module attributes {stable_mosaic.version = 14 : i64} {
  func.func @_mm_body(%arg0: i32, %arg1: memref<1000x128xf32, #tpu.memory_space<vmem>>, %arg2: memref<128x128xf32, #tpu.memory_space<vmem>>, %arg3: memref<1x128xf32, #tpu.memory_space<vmem>>, %arg4: memref<1000x128xf32, #tpu.memory_space<vmem>>) attributes {dimension_semantics = [#tpu.dimension_semantics<arbitrary>], iteration_bounds = array<i64: 10>, scalar_prefetch = 0 : i64, scratch_operands = 0 : i64, tpu.core_type = #tpu.core_type<tc>, window_params = [{transform_indices = @transform_0, window_bounds = array<i64: 1000, 128>}, {pipeline_mode = #tpu.pipeline_mode<synchronous>, transform_indices = @transform_1, window_bounds = array<i64: 128, 128>}, {pipeline_mode = #tpu.pipeline_mode<synchronous>, transform_indices = @transform_2, window_bounds = array<i64: 1, 128>}, {transform_indices = @transform_3, window_bounds = array<i64: 1000, 128>}]} {
    %get3A = arith.constant 0 : index
    %get3A_0 = arith.constant 0 : index
    %get3A_1 = vector.load %arg1[%get3A, %get3A_0] : memref<1000x128xf32, #tpu.memory_space<vmem>>, vector<1000x128xf32>
    %get3A_2 = arith.constant 0 : index
    %get3A_3 = arith.constant 0 : index
    %get3A_4 = vector.load %arg2[%get3A_2, %get3A_3] : memref<128x128xf32, #tpu.memory_space<vmem>>, vector<128x128xf32>
    %dot_general3A = arith.constant dense<0.000000e+00> : vector<1000x128xf32>
    %dot_general3A_5 = tpu.matmul %get3A_1, %get3A_4, %dot_general3A {dimension_numbers = #tpu.dot_dimension_numbers<[1], [1], [0], [0], [0, 0, 1, 0], [], []>, transpose_lhs_hint = false} : vector<1000x128xf32>, vector<128x128xf32>, vector<1000x128xf32> -> vector<1000x128xf32>
    %get3A_6 = arith.constant 0 : index
    %get3A_7 = arith.constant 0 : index
    %get3A_8 = vector.load %arg3[%get3A_6, %get3A_7] : memref<1x128xf32, #tpu.memory_space<vmem>>, vector<1x128xf32>
    %add3A = vector.broadcast %get3A_8 : vector<1x128xf32> to vector<1000x128xf32>
    %add3A_9 = arith.addf %dot_general3A_5, %add3A : vector<1000x128xf32>
    %swap3A = arith.constant 0 : index
    %swap3A_10 = arith.constant 0 : index
    %swap3A_11 = vector.load %arg4[%swap3A, %swap3A_10] : memref<1000x128xf32, #tpu.memory_space<vmem>>, vector<1000x128xf32>
    tpu.vector_store %arg4[%swap3A, %swap3A_10], %add3A_9 {strides = array<i32>} : memref<1000x128xf32, #tpu.memory_space<vmem>>, vector<1000x128xf32>,
    return
  }
  func.func @transform_0(%arg0: i32) -> (i32, i32) {
    %c0_i32 = arith.constant 0 : i32
    %c0_i32_0 = arith.constant 0 : i32
    return %arg0, %c0_i32 : i32, i32
  }
  func.func @transform_1(%arg0: i32) -> (i32, i32) {
    %c0_i32 = arith.constant 0 : i32
    %c0_i32_0 = arith.constant 0 : i32
    %c0_i32_1 = arith.constant 0 : i32
    return %c0_i32, %c0_i32_0 : i32, i32
  }
  func.func @transform_2(%arg0: i32) -> (i32, i32) {
    %c0_i32 = arith.constant 0 : i32
    %c0_i32_0 = arith.constant 0 : i32
    %c0_i32_1 = arith.constant 0 : i32
    return %c0_i32, %c0_i32_0 : i32, i32
  }
  func.func @transform_3(%arg0: i32) -> (i32, i32) {
    %c0_i32 = arith.constant 0 : i32
    %c0_i32_0 = arith.constant 0 : i32
    return %arg0, %c0_i32 : i32, i32
  }
}

module attributes {stable_mosaic.version = 14 : i64} {
  func.func @_add_body(%arg0: i32, %arg1: memref<1024x128xf32, #tpu.memory_space<vmem>>, %arg2: memref<1024x128xf32, #tpu.memory_space<vmem>>, %arg3: memref<1024x128xf32, #tpu.memory_space<vmem>>) attributes {dimension_semantics = [#tpu.dimension_semantics<arbitrary>], iteration_bounds = array<i64: 10>, scalar_prefetch = 0 : i64, scratch_operands = 0 : i64, tpu.core_type = #tpu.core_type<tc>, window_params = [{transform_indices = @transform_0, window_bounds = array<i64: 1024, 128>}, {transform_indices = @transform_1, window_bounds = array<i64: 1024, 128>}, {transform_indices = @transform_2, window_bounds = array<i64: 1024, 128>}]} {
    %get3A = arith.constant 0 : index
    %get3A_0 = arith.constant 0 : index
    %get3A_1 = vector.load %arg1[%get3A, %get3A_0] : memref<1024x128xf32, #tpu.memory_space<vmem>>, vector<1024x128xf32>
    %get3A_2 = arith.constant 0 : index
    %get3A_3 = arith.constant 0 : index
    %get3A_4 = vector.load %arg2[%get3A_2, %get3A_3] : memref<1024x128xf32, #tpu.memory_space<vmem>>, vector<1024x128xf32>
    %add3A = arith.addf %get3A_1, %get3A_4 : vector<1024x128xf32>
    %swap3A = arith.constant 0 : index
    %swap3A_5 = arith.constant 0 : index
    %swap3A_6 = vector.load %arg3[%swap3A, %swap3A_5] : memref<1024x128xf32, #tpu.memory_space<vmem>>, vector<1024x128xf32>
    tpu.vector_store %arg3[%swap3A, %swap3A_5], %add3A {strides = array<i32>} : memref<1024x128xf32, #tpu.memory_space<vmem>>, vector<1024x128xf32>,
    return
  }
  func.func @transform_0(%arg0: i32) -> (i32, i32) {
    %c0_i32 = arith.constant 0 : i32
    %c0_i32_0 = arith.constant 0 : i32
    return %arg0, %c0_i32 : i32, i32
  }
  func.func @transform_1(%arg0: i32) -> (i32, i32) {
    %add3A = arith.constant 10 : i32
    %add3A_0 = arith.addi %arg0, %add3A : i32
    %c0_i32 = arith.constant 0 : i32
    %c0_i32_1 = arith.constant 0 : i32
    return %add3A_0, %c0_i32 : i32, i32
  }
  func.func @transform_2(%arg0: i32) -> (i32, i32) {
    %c0_i32 = arith.constant 0 : i32
    %c0_i32_0 = arith.constant 0 : i32
    return %arg0, %c0_i32 : i32, i32
  }
}

</mosaic_0001>

<sc_bundles>
// kernel: kernel.5.cloned.1.call-start
scs
__scs_entry_jumppad:
0x0: {  	(pc) =	sbr.rel $0x88, $3  }
0x1: {  	(tag) =	ssettag $0x0;
	lr =	simm.s32 $0x1  }
0x2: {  	[smem:$0x3F9D] =	sst lr;
	_ =	strace $0xD0000000  }
0x3: {  	_ = 	snop  }
0x4: {  	_ = 	snop  }
0x5: {  	_ = 	snop  }
0x6: {  	_ = 	snop  }
0x7: {  	_ = 	snop  }
__scs_overlays_trampoline_lowered:
0x8: {  	[smem:$0x3FAC] =	sst s0  }
0x9: {  	[smem:$0x3FAD] =	sst s1  }
0xa: {  	[smem:$0x3FAE] =	sst s2  }
0xb: {  	[smem:$0x3FAF] =	sst s3  }
0xc: {  	[smem:$0x3FB0] =	sst s4  }
0xd: {  	[smem:$0x3FB1] =	sst s5  }
0xe: {  	[smem:$0x3FB2] =	sst s6  }
0xf: {  	[smem:$0x3FB3] =	sst s7  }
0x10: {  	[smem:$0x3FB4] =	sst s8  }
0x11: {  	[smem:$0x3FB5] =	sst s9;
	s0 =	simm.s32 @!p0 $0x0  }
0x12: {  	s1 =	sld [smem:$0x3F9B];
	s0 =	simm.s32 @p0 $0x1  }
0x13: {  	[smem:$0x3FB6] =	sst s0;
	s0 =	simm.s32 @!p1 $0x0  }
0x14: {  	s2 =	sld [smem:$0x3F9A];
	s0 =	simm.s32 @p1 $0x1  }
0x15: {  	[smem:$0x3FB7] =	sst s0;
	s0 =	simm.s32 @!p2 $0x0  }
0x16: {  	s3 =	sld [smem:$0x3FDB];
	s0 =	simm.s32 @p2 $0x1  }
0x17: {  	s4 =	simm.s32 $0x1BF5;
	[smem:$0x3FB9] =	sst s0  }
0x18: {  	s0 =	sld [smem:$0x3F9C];
	_ =	swait.ge [sflag:s4], $0x0  }
0x19: {  	s7 =	sld [smem:$0x3F9D]  }
0x1a: {  	s8 =	sadd.s32 $0xFFFFE003, lr  }
0x1b: {  	s9 =	sadd.s32 $0xFFFFFEF7, lr;
	s5 =	simm.s32 $0xFFFFFFFF;
	p2 =	slt.u32 s8, $0xFFFFF086  }
0x1c: {  	p1 =	slt.u32 s9, $0xF7A;
	s5 =	simm.s32 @!p2 $0x0  }
0x1d: {  	s5 =	simm.s32 @p1 $0x1;
	p0 =	seq.s32 s7, s2  }
0x1e: {  	s7 =	smul.u32 @!p0 $0xF7A, s2;
	p2 =	seq.s32 @!p0 s5, $0x0  }
0x1f: {  	s9 =	smul.u32 $0xF7A, s1;
	s8 =	simm.s32 @!p0 $0x1BF5;
	p2 =	por !p2, p0  }
0x20: {  	[sflag:s8] =	ssyncset.s32 @!p0 $0xFFFFF086;
	s6 =	sadd.s32 @!p0 s3, s7;
	s7 =	simm.s32 @!p0 $0x108  }
0x21: {  	s3 =	sadd.s32 s3, s9;
	s6 =	sadd.s32 @!p0 $0x88, s6;
	s7 =	simm.s32 @p2 $0x1082  }
0x22: {  	[simem:s7], [sflag:s8] =	dma.local @!p0 [hbm:s6], $0xF7A  }
0x23: {  	s9 =	sor.u32 $0xD0000000, s2;
	s6 =	simm.s32 $0x108;
	_ =	swait.ge @!p0 [sflag:s8], $0x0  }
0x24: {  	s3 =	sadd.s32 $0x88, s3;
	s6 =	simm.s32 @!p1 $0x1082;
	[sflag:s4] =	ssyncset.s32 $0xFFFFF086  }
0x25: {  	[simem:s6], [sflag:s4] =	dma.local [hbm:s3], $0xF7A  }
0x26: {  	[smem:$0x3F9D] =	sst s1;
	(tag) =	ssettag s2;
	_ =	strace s9  }
0x27: {  	s1 =	sld [smem:$0x3FAD]  }
0x28: {  	s2 =	sld [smem:$0x3FAE]  }
0x29: {  	s4 =	sld [smem:$0x3FB0]  }
0x2a: {  	p0 =	seq.s32 s5, $0x0;
	s5 =	sld [smem:$0x3FB1]  }
0x2b: {  	s6 =	sld [smem:$0x3FB2]  }
0x2c: {  	s7 =	sld [smem:$0x3FB3]  }
0x2d: {  	s3 =	simm.s32 $0x108;
	s8 =	sld [smem:$0x3FB4]  }
0x2e: {  	s3 =	simm.s32 @!p0 $0x1082;
	s9 =	sld [smem:$0x3FB5]  }
0x2f: {  	lr =	sadd.s32 s0, s3;
	s0 =	sld [smem:$0x3FAC]  }
0x30: {  	s3 =	sld [smem:$0x3FAF]  }
0x31: {  	[smem:$0x3FB8] =	sst s10  }
0x32: {  	s10 =	sld [smem:$0x3FB6];
	_ =	sdelay $0x3  }
0x33: {  	p0 =	seq.s32 s10, $0x1;
	s10 =	sld [smem:$0x3FB8];
	_ =	sdelay $0x3  }
0x34: {  	[smem:$0x3FB8] =	sst s10  }
0x35: {  	s10 =	sld [smem:$0x3FB7];
	_ =	sdelay $0x3  }
0x36: {  	p1 =	seq.s32 s10, $0x1;
	s10 =	sld [smem:$0x3FB8];
	_ =	sdelay $0x3  }
0x37: {  	[smem:$0x3FB8] =	sst s10  }
0x38: {  	s10 =	sld [smem:$0x3FB9]  }
0x39: {  	_ = 	snop;
	(pc) =	sbr.ind lr, $3  }
0x3a: {  	_ = 	snop  }
0x3b: {  	_ = 	snop  }
0x3c: {  	p2 =	seq.s32 s10, $0x1;
	s10 =	sld [smem:$0x3FB8]  }
0x3d: {  	_ =	shalt  }
0x3e: {  	_ =	shalt  }
0x3f: {  	_ =	shalt  }
0x40: {  	_ =	shalt  }
0x41: {  	_ =	shalt  }
0x42: {  	_ =	shalt  }
0x43: {  	_ =	shalt  }
0x44: {  	_ =	shalt  }
0x45: {  	_ =	shalt  }
0x46: {  	_ =	shalt  }
0x47: {  	_ =	shalt  }
0x48: {  	_ =	shalt  }
0x49: {  	_ =	shalt  }
0x4a: {  	_ =	shalt  }
0x4b: {  	_ =	shalt  }
0x4c: {  	_ =	shalt  }
0x4d: {  	_ =	shalt  }
0x4e: {  	_ =	shalt  }
0x4f: {  	_ =	shalt  }
0x50: {  	_ =	shalt  }
0x51: {  	_ =	shalt  }
0x52: {  	_ =	shalt  }
0x53: {  	_ =	shalt  }
0x54: {  	_ =	shalt  }
0x55: {  	_ =	shalt  }
0x56: {  	_ =	shalt  }
0x57: {  	_ =	shalt  }
0x58: {  	_ =	shalt  }
0x59: {  	_ =	shalt  }
0x5a: {  	_ =	shalt  }
0x5b: {  	_ =	shalt  }
0x5c: {  	_ =	shalt  }
0x5d: {  	_ =	shalt  }
0x5e: {  	_ =	shalt  }
0x5f: {  	_ =	shalt  }
0x60: {  	_ =	shalt  }
0x61: {  	_ =	shalt  }
0x62: {  	_ =	shalt  }
0x63: {  	_ =	shalt  }
0x64: {  	_ =	shalt  }
0x65: {  	_ =	shalt  }
0x66: {  	_ =	shalt  }
0x67: {  	_ =	shalt  }
0x68: {  	_ =	shalt  }
0x69: {  	_ =	shalt  }
0x6a: {  	_ =	shalt  }
0x6b: {  	_ =	shalt  }
0x6c: {  	_ =	shalt  }
0x6d: {  	_ =	shalt  }
0x6e: {  	_ =	shalt  }
0x6f: {  	_ =	shalt  }
0x70: {  	_ =	shalt  }
0x71: {  	_ =	shalt  }
0x72: {  	_ =	shalt  }
0x73: {  	_ =	shalt  }
0x74: {  	_ =	shalt  }
0x75: {  	_ =	shalt  }
0x76: {  	_ =	shalt  }
0x77: {  	_ =	shalt  }
0x78: {  	_ =	shalt  }
0x79: {  	_ =	shalt  }
0x7a: {  	_ =	shalt  }
0x7b: {  	_ =	shalt  }
0x7c: {  	_ =	shalt  }
0x7d: {  	_ =	shalt  }
0x7e: {  	_ =	shalt  }
0x7f: {  	_ =	shalt  }
0x80: {  	_ =	shalt  }
0x81: {  	_ =	shalt  }
0x82: {  	_ =	shalt  }
0x83: {  	_ =	shalt  }
0x84: {  	_ =	shalt  }
0x85: {  	_ =	shalt  }
0x86: {  	_ =	shalt  }
0x87: {  	_ =	shalt  }
.Lfunc_end0:
.L_simem_size_0:
called_computation_lowered:
.L_overlay_start_0:
0x88: {  	s2 =	sld [smem:$0x3FD9]  }
0x89: {  	s3 =	sld [smem:$0x3FFE];
	_ =	sdelay $0x1  }
0x8a: {  	s1 =	srdreg.scid  }
0x8b: {  	s0 =	sand.u32 $0x1, s1  }
0x8c: {  	s17 =	sshll.u32 s0, $0xA;
	s2 =	sadd.s32 s3, s2  }
0x8d: {  	s2 =	sadd.s32 s2, s17  }
0x8e: {  	[smem:$0x3FC4] =	sst s2  }
0x8f: {  	_ = 	snop  }
0x90: {  	s2 =	sld [smem:$0x3FD0];
	(tm) =	ssettm $0x1  }
0x91: {  	s18 =	sld [smem:$0x3FFB];
	_ =	sdelay $0x3  }
0x92: {  	_ =	strace s18  }
0x93: {  	s3 =	sld [smem:$0x3FFC];
	_ =	sdelay $0x3  }
0x94: {  	_ =	strace s3  }
0x95: {  	s3 =	sld [smem:$0x3FFD];
	_ =	sdelay $0x3  }
0x96: {  	_ =	strace s3  }
0x97: {  	_ =	strace $0x8FFFFFFF  }
0x98: {  	s19 =	sld [smem:$0x3FDB];
	_ =	sdelay $0x1  }
0x99: {  	s4 =	simm.s32 $_scs_section_size  }
0x9a: {  	s5 =	simm.s32 $_size__tile_overlayer_lowered;
	s6 =	simm.s32 $_tile_overlayer_lowered  }
0x9b: {  	s22 =	simm.s32 $0x1BFF;
	s21 =	sshll.u32 s6, $0x1;
	s3 =	sadd.s32 s4, s19  }
0x9c: {  	s7 =	simm.s32 $0x0;
	s20 =	sshll.u32 s5, $0x1;
	s5 =	sadd.s32 s21, s3  }
0x9d: {  	[timem:s7], [sflag:s22] =	dma.local [hbm:s5], s20  }
0x9e: {  	_ =	swait.ge [sflag:s22], s20  }
0x9f: {  	s4 =	ssub.s32 $0x0, s20;
	[sflag:s22] =	ssyncset.done $0x0  }
0xa0: {  	[sflag:s22] =	ssyncadd.s32 s4;
	_ =	sdelay $0x1  }
0xa1: {  	s23 =	simm.s32 $0x1B8B  }
0xa2: {  	_ =	swait.ge [sflag:s23], $0x1  }
0xa3: {  	[sflag:s23] =	ssyncset.done $0x0  }
0xa4: {  	s25 =	simm.s32 $0x1B8E;
	s24 =	sld [smem:$0x3FFE];
	[sflag:s23] =	ssyncadd.s32 $0xFFFFFFFF  }
0xa5: {  	s26 =	simm.s32 $execute0_lowered;
	[smem:$0x3FD2] =	sst s25  }
0xa6: {  	s5 =	sshll.u32 s26, $0x1;
	_ =	strace $0x80000046;
	[dreg:$0x1] =	wrdreg $0xFFFFFFFF  }
0xa7: {  	s28 =	simm.s32 $_size_execute0_lowered;
	s3 =	sadd.s32 s3, s5;
	[dreg:$0x0] =	wrdreg $0x0  }
0xa8: {  	s5 =	sshll.u32 s28, $0x1;
	[dreg:$0x2] =	wrdreg s3  }
0xa9: {  	[dreg:$0x3] =	wrdreg s5  }
0xaa: {  	[dreg:$0x4] =	wrdreg $0xC0  }
0xab: {  	_ =	task [dreg:s7], $0x5FFFF  }
0xac: {  	[dreg:$0x1] =	wrdreg $0xFFFFFFFF  }
0xad: {  	[dreg:$0x0] =	wrdreg $0x60  }
0xae: {  	[dreg:$0x2] =	wrdreg s2  }
0xaf: {  	[dreg:$0x3] =	wrdreg s24  }
0xb0: {  	[dreg:$0x4] =	wrdreg $0xB7000  }
0xb1: {  	[dreg:$0x5] =	wrdreg $0x9  }
0xb2: {  	_ =	task.clear_ibuf [dreg:s7], $0x6FFFF;
	_ =	strace $0x90000046  }
0xb3: {  	s29 =	simm.s32 $0x9;
	_ =	strace $0x80000048  }
0xb4: {  	_ =	swait.ge [sflag:s29], $0x1  }
0xb5: {  	[sflag:s29] =	ssyncadd.s32 $0xFFFFFFFF  }
0xb6: {  	_ =	strace $0x90000048  }
0xb7: {  	_ =	sfence  }
0xb8: {  	s30 =	sld [smem:$0x0];
	_ =	sdelay $0x2  }
0xb9: {  	s31 =	sshll.u32 s1, $0xD;
	s1 =	sshrl.u32 s1, $0x2  }
0xba: {  	s3 =	sand.u32 $0x4000, s31;
	s1 =	sadd.s32 s1, s30  }
0xbb: {  	s0 =	sor.u32 s3, s0;
	s1 =	sshll.u32 s1, $0x11  }
0xbc: {  	s0 =	sor.u32 s1, s0  }
0xbd: {  	s0 =	sadd.s32 $0x8F2B, s0  }
0xbe: {  	[sflag:s0] =	ssyncadd.remote.s32 $0x1  }
0xbf: {  	_ =	sfence.sel $0xFFFF  }
0xc0: {  	[dreg:$0x0] =	wrdreg $0xFFFFFFFF;
	(pc) =	sbr.abs _section_cstart, $3  }
0xc1: {  	[dreg:$0x1] =	wrdreg $0xFFFFFFFF  }
0xc2: {  	_ =	task.clear_ibuf [dreg:s7], $0x2FFFF;
	_ =	strace $0x9FFFFFFF  }
0xc3: {  	(tm) =	ssettm $0x7FFFFFFF  }
tec
execute0_lowered:
.L_overlay_start_1:
0x0: {  	(tag) =	ssettag $0x1  }
0x1: {  	s1 =	rddreg [dreg:$0x0]  }
0x2: {  	s6 =	rddreg [dreg:$0x1]  }
0x3: {  	s3 =	rddreg [dreg:$0x2]  }
0x4: {  	s0 =	rddreg [dreg:$0x3]  }
0x5: {  	s5 =	srdreg.scid;
	s2 =	stileid.u32  }
0x6: {  	s4 =	simm.s32 $0x0;
	s16 =	simm.s32 $0x300;
	s17 =	simm.s32 $0x100  }
0x7: {  	s18 =	simm.s32 $0x3F00;
	s19 =	simm.s32 $0x200;
	s20 =	simm.s32 $0x7B00  }
0x8: {  	s21 =	simm.s32 $0x1;
	s22 =	simm.s32 $0x80;
	s23 =	simm.s32 $0x2  }
0x9: {  	s24 =	simm.s32 $0x180;
	s25 =	simm.s32 $0x3;
	s28 =	simm.s32 $0x0  }
0xa: {  	s7 =	sand.u32 $0x1, s5;
	s8 =	smul.u32 $0x2800, s2;
	[smem:$0x7FF] =	sst s4  }
0xb: {  	s10 =	sadd.s32 $0xE00, s6;
	s5 =	sadd.s32 $0x15E00, s6;
	s29 =	smul.u32 $0x50000, s2  }
0xc: {  	s12 =	sshll.u32 s2, $0x6;
	s9 =	smul.u32 $0x28000, s7;
	s26 =	ssub.s32 $0x2, s7  }
0xd: {  	_ =	strace $0x80000047;
	s13 =	sshll.u32 s7, $0x5;
	s30 =	sshrl.u32 s26, $0x1  }
0xe: {  	s31 =	sshrl.u32 s29, $0x2;
	s7 =	sor.u32 s13, s12;
	s8 =	sadd.s32 s8, s9  }
0xf: {  	s14 =	ssub.s32 s26, s30;
	s15 =	sadd.s32 s31, s3;
	s7 =	sadd.s32 s10, s7  }
0x10: {  	s26 =	simm.s32 $0x280;
	s11 =	sadd.s32 s8, s6;
	s6 =	sor.u32 $0x1C04, s12  }
0x11: {  	s8 =	sadd.s32 $0x400, s7;
	s9 =	sadd.s32 $0x800, s7;
	s12 =	sadd.s32 s12, s10  }
0x12: {  	s10 =	sadd.s32 $0x18600, s11;
	s11 =	smax.u32 s14, $0x1;
	s12 =	sadd.s32 s13, s12  }
0x13: {  	s13 =	sshrl.u32 s15, $0x3;
	s14 =	simm.s32 $0x4;
	s15 =	simm.s32 $0x78  }
.LBB2_1:
0x14: {  	[spmem:s13], [sflag:s6] =	dma.local [hbm:s5], $0x2800  }
0x15: {  	_ =	swait.ge [sflag:s14], $0x2800  }
0x16: {  	[sflag:s14] =	ssyncset.done $0x0  }
0x17: {  	[sflag:s14] =	ssyncadd.s32 $0xFFFFD800  }
0x18: {  	[bflag:$0x0] =	sbarrier.arrive $0xFFFF  }
0x19: {  	[tilespmem:s4], [sflag:$0x4] =	stream.linear.gather [hbm4b:s7+s4], $0x100, $0x38;
	[tilespmem:$0x1F700] =	vst v63  }
0x1a: {  	_ =	swait.ge [sflag:s14], $0x100  }
0x1b: {  	[sflag:s14] =	ssyncset.done $0x0  }
0x1c: {  	[sflag:s14] =	ssyncadd.s32 $0xFFFFFF00  }
0x1d: {  	[tilespmem:s16], [sflag:$0x1] =	stream.indirect.gather [hbm4b:s1+s15], $0x80, s4, s15, $0xb8;
	[tilespmem:$0x1F700] =	vst v63  }
0x1e: {  	_ = 	snop  }
0x1f: {  	[tilespmem:s17], [sflag:$0x4] =	stream.linear.gather [hbm4b:s8+s4], $0x100, $0x38;
	[tilespmem:$0x1F700] =	vst v63  }
0x20: {  	_ =	swait.ge [sflag:s14], $0x100  }
0x21: {  	[sflag:s14] =	ssyncset.done $0x0  }
0x22: {  	[sflag:s14] =	ssyncadd.s32 $0xFFFFFF00  }
0x23: {  	[tilespmem:s18], [sflag:$0x2] =	stream.indirect.gather [hbm4b:s1+s15], $0x80, s17, s15, $0xb8;
	[tilespmem:$0x1F700] =	vst v63  }
0x24: {  	_ = 	snop  }
0x25: {  	[tilespmem:s19], [sflag:$0x4] =	stream.linear.gather [hbm4b:s9+s4], $0x100, $0x38;
	[tilespmem:$0x1F700] =	vst v63  }
0x26: {  	_ =	swait.ge [sflag:s14], $0x100  }
0x27: {  	[sflag:s14] =	ssyncset.done $0x0  }
0x28: {  	[sflag:s14] =	ssyncadd.s32 $0xFFFFFF00  }
0x29: {  	[tilespmem:s20], [sflag:$0x3] =	stream.indirect.gather [hbm4b:s1+s15], $0x80, s19, s15, $0xb8;
	[tilespmem:$0x1F700] =	vst v63  }
0x2a: {  	_ =	swait.ge [sflag:s21], $0x3C00  }
0x2b: {  	[sflag:s21] =	ssyncset.done $0x0  }
0x2c: {  	[sflag:s21] =	ssyncadd.s32 $0xFFFFC400  }
0x2d: {  	[spmem:s3] =	stream.indirect.scatter.add.f32 [tilespmem:s16], [sflag:$0x4], $0x80, s22, s15, $0xb8;
	[tilespmem:$0x1F700] =	vst v63  }
0x2e: {  	_ =	swait.ge [sflag:s14], $0x3C00  }
0x2f: {  	s29 =	sadd.s32 $0xFFFEBC00, s12;
	[sflag:s14] =	ssyncset.done $0x0  }
0x30: {  	s30 =	sadd.s32 $0x15000, s29;
	[sflag:s14] =	ssyncadd.s32 $0xFFFFC400  }
0x31: {  	[tilespmem:s4], [sflag:$0x4] =	stream.linear.gather [hbm4b:s30+s4], $0x100, $0x38;
	[tilespmem:$0x1F700] =	vst v63  }
0x32: {  	_ =	swait.ge [sflag:s14], $0x100  }
0x33: {  	[sflag:s14] =	ssyncset.done $0x0  }
0x34: {  	[sflag:s14] =	ssyncadd.s32 $0xFFFFFF00  }
0x35: {  	[tilespmem:s16], [sflag:$0x1] =	stream.indirect.gather [hbm4b:s1+s15], $0x80, s4, s15, $0xb8;
	[tilespmem:$0x1F700] =	vst v63  }
0x36: {  	_ =	swait.ge [sflag:s23], $0x3C00  }
0x37: {  	[sflag:s23] =	ssyncset.done $0x0  }
0x38: {  	[sflag:s23] =	ssyncadd.s32 $0xFFFFC400  }
0x39: {  	[spmem:s3] =	stream.indirect.scatter.add.f32 [tilespmem:s18], [sflag:$0x4], $0x80, s24, s15, $0xb8;
	[tilespmem:$0x1F700] =	vst v63  }
0x3a: {  	_ =	swait.ge [sflag:s14], $0x3C00  }
0x3b: {  	[sflag:s14] =	ssyncset.done $0x0  }
0x3c: {  	s31 =	sadd.s32 $0x15400, s29;
	[sflag:s14] =	ssyncadd.s32 $0xFFFFC400  }
0x3d: {  	[tilespmem:s17], [sflag:$0x4] =	stream.linear.gather [hbm4b:s31+s4], $0x100, $0x38;
	[tilespmem:$0x1F700] =	vst v63  }
0x3e: {  	_ =	swait.ge [sflag:s14], $0x100  }
0x3f: {  	[sflag:s14] =	ssyncset.done $0x0  }
0x40: {  	[sflag:s14] =	ssyncadd.s32 $0xFFFFFF00  }
0x41: {  	[tilespmem:s18], [sflag:$0x2] =	stream.indirect.gather [hbm4b:s1+s15], $0x80, s17, s15, $0xb8;
	[tilespmem:$0x1F700] =	vst v63  }
0x42: {  	_ =	swait.ge [sflag:s25], $0x3C00  }
0x43: {  	[sflag:s25] =	ssyncset.done $0x0  }
0x44: {  	[sflag:s25] =	ssyncadd.s32 $0xFFFFC400  }
0x45: {  	[spmem:s3] =	stream.indirect.scatter.add.f32 [tilespmem:s20], [sflag:$0x4], $0x80, s26, s15, $0xb8;
	[tilespmem:$0x1F700] =	vst v63  }
0x46: {  	_ =	swait.ge [sflag:s14], $0x3C00  }
0x47: {  	[sflag:s14] =	ssyncset.done $0x0  }
0x48: {  	s29 =	sadd.s32 $0x15800, s29;
	[sflag:s14] =	ssyncadd.s32 $0xFFFFC400  }
0x49: {  	[tilespmem:s19], [sflag:$0x4] =	stream.linear.gather [hbm4b:s29+s4], $0x100, $0x38;
	[tilespmem:$0x1F700] =	vst v63  }
0x4a: {  	_ =	swait.ge [sflag:s14], $0x100  }
0x4b: {  	[sflag:s14] =	ssyncset.done $0x0  }
0x4c: {  	s29 =	simm.s32 $0xFFFEC800;
	[sflag:s14] =	ssyncadd.s32 $0xFFFFFF00  }
.LBB2_2:
0x4d: {  	[tilespmem:s20], [sflag:$0x3] =	stream.indirect.gather [hbm4b:s1+s15], $0x80, s19, s15, $0xb8;
	[tilespmem:$0x1F700] =	vst v63  }
0x4e: {  	s30 =	smov.u32 s29  }
0x4f: {  	p0 =	sne.s32 s29, $0xFFFFF400;
	s29 =	sadd.s32 $0xC00, s29;
	_ =	swait.ge [sflag:s21], $0x3C00  }
0x50: {  	[sflag:s21] =	ssyncset.done $0x0  }
0x51: {  	[sflag:s21] =	ssyncadd.s32 $0xFFFFC400  }
0x52: {  	[spmem:s3] =	stream.indirect.scatter.add.f32 [tilespmem:s16], [sflag:$0x4], $0x80, s22, s15, $0xb8;
	[tilespmem:$0x1F700] =	vst v63  }
0x53: {  	_ =	swait.ge [sflag:s14], $0x3C00  }
0x54: {  	s30 =	sadd.s32 s30, s12;
	[sflag:s14] =	ssyncset.done $0x0  }
0x55: {  	s31 =	sadd.s32 $0x15000, s30;
	[sflag:s14] =	ssyncadd.s32 $0xFFFFC400  }
0x56: {  	[tilespmem:s4], [sflag:$0x4] =	stream.linear.gather [hbm4b:s31+s4], $0x100, $0x38;
	[tilespmem:$0x1F700] =	vst v63  }
0x57: {  	_ =	swait.ge [sflag:s14], $0x100  }
0x58: {  	[sflag:s14] =	ssyncset.done $0x0  }
0x59: {  	[sflag:s14] =	ssyncadd.s32 $0xFFFFFF00  }
0x5a: {  	[tilespmem:s16], [sflag:$0x1] =	stream.indirect.gather [hbm4b:s1+s15], $0x80, s4, s15, $0xb8;
	[tilespmem:$0x1F700] =	vst v63  }
0x5b: {  	_ =	swait.ge [sflag:s23], $0x3C00  }
0x5c: {  	[sflag:s23] =	ssyncset.done $0x0  }
0x5d: {  	[sflag:s23] =	ssyncadd.s32 $0xFFFFC400  }
0x5e: {  	[spmem:s3] =	stream.indirect.scatter.add.f32 [tilespmem:s18], [sflag:$0x4], $0x80, s24, s15, $0xb8;
	[tilespmem:$0x1F700] =	vst v63  }
0x5f: {  	_ =	swait.ge [sflag:s14], $0x3C00  }
0x60: {  	[sflag:s14] =	ssyncset.done $0x0  }
0x61: {  	s31 =	sadd.s32 $0x15400, s30;
	[sflag:s14] =	ssyncadd.s32 $0xFFFFC400  }
0x62: {  	[tilespmem:s17], [sflag:$0x4] =	stream.linear.gather [hbm4b:s31+s4], $0x100, $0x38;
	[tilespmem:$0x1F700] =	vst v63  }
0x63: {  	_ =	swait.ge [sflag:s14], $0x100  }
0x64: {  	[sflag:s14] =	ssyncset.done $0x0  }
0x65: {  	[sflag:s14] =	ssyncadd.s32 $0xFFFFFF00  }
0x66: {  	[tilespmem:s18], [sflag:$0x2] =	stream.indirect.gather [hbm4b:s1+s15], $0x80, s17, s15, $0xb8;
	[tilespmem:$0x1F700] =	vst v63  }
0x67: {  	_ =	swait.ge [sflag:s25], $0x3C00  }
0x68: {  	[sflag:s25] =	ssyncset.done $0x0  }
0x69: {  	[sflag:s25] =	ssyncadd.s32 $0xFFFFC400  }
0x6a: {  	[spmem:s3] =	stream.indirect.scatter.add.f32 [tilespmem:s20], [sflag:$0x4], $0x80, s26, s15, $0xb8;
	[tilespmem:$0x1F700] =	vst v63  }
0x6b: {  	_ =	swait.ge [sflag:s14], $0x3C00  }
0x6c: {  	[sflag:s14] =	ssyncset.done $0x0  }
.Ltmp0:
0x6d: {  	s30 =	sadd.s32 $0x15800, s30;
	[sflag:s14] =	ssyncadd.s32 $0xFFFFC400;
	(pc) =	sbr.rel @p0 .LBB2_2-.Ltmp0, $4  }
0x6e: {  	[tilespmem:s19], [sflag:$0x4] =	stream.linear.gather [hbm4b:s30+s4], $0x100, $0x38;
	[tilespmem:$0x1F700] =	vst v63  }
0x6f: {  	_ =	swait.ge [sflag:s14], $0x100  }
0x70: {  	[sflag:s14] =	ssyncset.done $0x0  }
0x71: {  	[sflag:s14] =	ssyncadd.s32 $0xFFFFFF00  }
0x72: {  	[tilespmem:s20], [sflag:$0x3] =	stream.indirect.gather [hbm4b:s1+s15], $0x80, s19, s15, $0xb8;
	[tilespmem:$0x1F700] =	vst v63  }
0x73: {  	_ =	swait.ge [sflag:s21], $0x3C00  }
0x74: {  	[sflag:s21] =	ssyncset.done $0x0  }
0x75: {  	[sflag:s21] =	ssyncadd.s32 $0xFFFFC400  }
0x76: {  	[spmem:s3] =	stream.indirect.scatter.add.f32 [tilespmem:s16], [sflag:$0x4], $0x80, s22, s15, $0xb8;
	[tilespmem:$0x1F700] =	vst v63  }
0x77: {  	_ =	swait.ge [sflag:s14], $0x3C00  }
0x78: {  	[sflag:s14] =	ssyncset.done $0x0  }
0x79: {  	[sflag:s14] =	ssyncadd.s32 $0xFFFFC400  }
0x7a: {  	_ =	swait.ge [sflag:s23], $0x3C00  }
0x7b: {  	[sflag:s23] =	ssyncset.done $0x0  }
0x7c: {  	[sflag:s23] =	ssyncadd.s32 $0xFFFFC400  }
0x7d: {  	[spmem:s3] =	stream.indirect.scatter.add.f32 [tilespmem:s18], [sflag:$0x4], $0x80, s24, s15, $0xb8;
	[tilespmem:$0x1F700] =	vst v63  }
0x7e: {  	_ =	swait.ge [sflag:s14], $0x3C00  }
0x7f: {  	[sflag:s14] =	ssyncset.done $0x0  }
0x80: {  	[sflag:s14] =	ssyncadd.s32 $0xFFFFC400  }
0x81: {  	_ =	swait.ge [sflag:s25], $0x3C00  }
0x82: {  	[sflag:s25] =	ssyncset.done $0x0  }
0x83: {  	[sflag:s25] =	ssyncadd.s32 $0xFFFFC400  }
0x84: {  	[spmem:s3] =	stream.indirect.scatter.add.f32 [tilespmem:s20], [sflag:$0x4], $0x80, s26, s15, $0xb8;
	[tilespmem:$0x1F700] =	vst v63  }
0x85: {  	_ =	swait.ge [sflag:s14], $0x3C00  }
0x86: {  	s28 =	sadd.s32 $0x1, s28;
	[sflag:s14] =	ssyncset.done $0x0  }
0x87: {  	p0 =	sne.s32 s28, s11;
	[sflag:s14] =	ssyncadd.s32 $0xFFFFC400  }
.Ltmp1:
0x88: {  	[bflag:$0x0] =	sbarrier.arrive $0xFFFF;
	(pc) =	sbr.rel @p0 .LBB2_1-.Ltmp1, $4  }
0x89: {  	[hbm:s10], [sflag:s6] =	dma.local [spmem:s13], $0x2800  }
0x8a: {  	_ =	swait.ge [sflag:s14], $0x2800  }
0x8b: {  	[sflag:s14] =	ssyncset.done $0x0  }
0x8c: {  	[sflag:s14] =	ssyncadd.s32 $0xFFFFD800  }
0x8d: {  	_ =	sfence.sel $0x180000  }
0x8e: {  	[bflag:$0x0] =	sbarrier.arrive $0xFFFF  }
0x8f: {  	p0 =	sne.s32 s2, $0x0;
	_ =	strace $0x90000047  }
0x90: {  	s0 =	sadd.s32 @!p0 $0x100000, s0;
	[bflag:$0x2] =	sbarrier.arrive $0xFFFF  }
0x91: {  	[sflag:s0] =	ssyncadd.tile.s32 @!p0 $0x1;
	_ =	shalt  }
.Lfunc_end2:
_tile_overlayer_lowered:
.L_overlay_start_2:
0x92: {  	(tag) =	ssettag $0x2  }
0x93: {  	s0 =	rddreg [dreg:$0x0];
	s2 =	stileid.u32  }
0x94: {  	s1 =	rddreg [dreg:$0x1];
	p0 =	sne.s32 s2, $0x0  }
0x95: {  	s3 =	rddreg [dreg:$0x2];
	[bflag:$0x3] =	sbarrier.arrive $0xFFFF;
	s2 =	simm.s32 @!p0 $0x1C04  }
0x96: {  	[timem:s3], [sflag:s2] =	dma.local @!p0 [hbm:s0], s1  }
0x97: {  	s0 =	simm.s32 @!p0 $0x4  }
0x98: {  	_ =	swait.ge @!p0 [sflag:s0], s1  }
0x99: {  	s1 =	ssub.s32 @!p0 $0x0, s1;
	[sflag:s0] =	ssyncset.done @!p0 $0x0  }
0x9a: {  	[sflag:s0] =	ssyncadd.s32 @!p0 s1  }
0x9b: {  	[bflag:$0x3] =	sbarrier.arrive $0xFFFF  }
0x9c: {  	_ =	shalt  }

</sc_bundles>
